<compile_context>
chip_gen: v7x
topology: tpu7x:2x2x1
jax: 0.10.2.dev20260603
libtpu: 0.0.44.dev20260713+nightly
codegen_flags: <defaults>
</compile_context>

<pallas_src>
import functools

import jax
import jax.numpy as jnp
from jax import lax
from jax.experimental import pallas as pl
from jax.experimental.pallas import tpu as pltpu
from jax.experimental.pallas import tpu_sc as plsc

NUM_EMB = 1000000
NUM_ROWS = 16384 * 26
DIM = 64
NC = 2
NS = 16
NW = NC * NS
ROWS_PER_W = NUM_ROWS // NW
CHUNK = 512
N_CHUNKS = ROWS_PER_W // CHUNK

_mesh = plsc.VectorSubcoreMesh(
    core_axis_name="c", subcore_axis_name="s", num_cores=NC, num_subcores=NS
)


@functools.partial(
    pl.kernel,
    out_type=jax.ShapeDtypeStruct((NUM_ROWS, DIM), jnp.float32),
    mesh=_mesh,
    scratch_types=[
        pltpu.VMEM((ROWS_PER_W,), jnp.int32),
        pltpu.VMEM((CHUNK, DIM), jnp.float32),
        pltpu.VMEM((CHUNK, DIM), jnp.float32),
        pltpu.SemaphoreType.DMA,
        pltpu.SemaphoreType.DMA,
    ],
    compiler_params=pltpu.CompilerParams(use_tc_tiling_on_sc=False),
)
def _gather_kernel(idx_hbm, table_hbm, out_hbm, idx_v, rows_a, rows_b, sem_a, sem_b):
    wid = lax.axis_index("s") * NC + lax.axis_index("c")
    base = wid * ROWS_PER_W
    pltpu.sync_copy(idx_hbm.at[pl.ds(base, ROWS_PER_W)], idx_v)

    bufs = (rows_a, rows_b)
    sems = (sem_a, sem_b)

    def start_gather(i):
        b = i % 2
        return pltpu.async_copy(
            table_hbm.at[idx_v.at[pl.ds(i * CHUNK, CHUNK)]], bufs[b], sems[b]
        )

    descs = {0: start_gather(0)}
    for i in range(N_CHUNKS):
        if i + 1 < N_CHUNKS:
            descs[i + 1] = start_gather(i + 1)
        descs[i].wait()
        pltpu.sync_copy(bufs[i % 2], out_hbm.at[pl.ds(base + i * CHUNK, CHUNK)])


TBLK = 8192
T_GRID = -(-NUM_EMB // TBLK)


def _transpose_body(src, dst):
    dst[...] = jnp.concatenate(
        [src[...].T, jnp.zeros((TBLK, 128 - DIM), jnp.float32)], axis=1
    )


_convert_table = pl.pallas_call(
    _transpose_body,
    grid=(T_GRID,),
    in_specs=[pl.BlockSpec((DIM, TBLK), lambda i: (0, i))],
    out_specs=pl.BlockSpec((TBLK, 128), lambda i: (i, 0)),
    out_shape=jax.ShapeDtypeStruct((NUM_EMB, 128), jnp.float32),
)


def kernel(indices, embedding):
    flat_idx = indices.reshape(-1).astype(jnp.int32) * 2
    emb_pad = _convert_table(embedding.T)
    emb_linear = emb_pad.reshape(2 * NUM_EMB, DIM)
    out = _gather_kernel(flat_idx, emb_linear)
    return out.reshape(indices.shape + (DIM,))

# --- scband reference (transcript-rebuilt; emitter-appended) ---
"""Pipeline reference for scband-embedding-23175643529986 (READ-ONLY COPY).

The authoritative reference and input builder live on the scoring server;
editing this copy changes nothing except your own understanding.
"""

import jax, jax.numpy as jnp
import numpy as np

NUM_EMBEDDINGS = 1000000
EMBEDDING_DIM = 64
INIT_STD = 0.02

def setup_inputs(seed: int = 0) -> dict:
    key = jax.random.key(seed)
    k_idx, k_emb = jax.random.split(key)
    indices = jax.random.randint(k_idx, (16384, 26), 0, NUM_EMBEDDINGS, dtype=jnp.int64 if jax.config.jax_enable_x64 else jnp.int32)
    # truncated normal init with stddev=0.02, matching nn.initializers.truncated_normal
    embedding = jax.random.truncated_normal(k_emb, -2.0, 2.0, (NUM_EMBEDDINGS, EMBEDDING_DIM), dtype=jnp.float32) * INIT_STD
    return {"indices": indices, "embedding": embedding}

def reference(indices, embedding):
    # Faithful translation of Embedding.__call__: embedding[indices]
    return jnp.take(embedding, indices, axis=0)

if __name__ == "__main__":
    import jax
    _d = setup_inputs()
    print(jax.jit(kernel)(*tuple(_d.values())))

</pallas_src>

<mosaic_0001>
#map = affine_map<(d0, d1) -> (0)>
#map1 = affine_map<(d0, d1) -> (0, 0)>
module attributes {stable_mosaic.version = 14 : i64} {
  func.func @_gather_kernel(%arg0: i32, %arg1: i32, %arg2: memref<425984xi32, #tpu.memory_space<hbm>>, %arg3: memref<2000000x64xf32, #tpu.memory_space<hbm>>, %arg4: memref<425984x64xf32, #tpu.memory_space<hbm>>, %arg5: memref<13312xi32, #tpu.memory_space<vmem>>, %arg6: memref<512x64xf32, #tpu.memory_space<vmem>>, %arg7: memref<512x64xf32, #tpu.memory_space<vmem>>, %arg8: memref<!tpu.dma_semaphore, #tpu.memory_space<semaphore_mem>>, %arg9: memref<!tpu.dma_semaphore, #tpu.memory_space<semaphore_mem>>) attributes {dimension_semantics = [#tpu.dimension_semantics<core_parallel>, #tpu.dimension_semantics<subcore_parallel>], iteration_bounds = array<i64: 2, 16>, scalar_prefetch = 0 : i64, scratch_operands = 5 : i64, tpu.core_type = #tpu.core_type<sc_vector_subcore>, window_params = [{transform_indices = #map}, {transform_indices = #map1}, {transform_indices = #map1}]} {
    %mul3A = arith.constant 2 : i32
    %mul3A_0 = arith.muli %arg1, %mul3A : i32
    %add3A = arith.addi %mul3A_0, %arg0 : i32
    %mul3A_1 = arith.constant 13312 : i32
    %mul3A_2 = arith.muli %add3A, %mul3A_1 : i32
    "tpu.region"() ({
      %run_scoped3A = tpu.sem_alloc : memref<!tpu.dma_semaphore, #tpu.memory_space<semaphore_mem>>
      %dma_start3A_313 = tpu.memref_slice %arg2[%mul3A_2] : memref<425984xi32, #tpu.memory_space<hbm>> -> memref<13312xi32, #tpu.memory_space<hbm>>
      %dma_start3A_314 = tpu.memref_slice %arg2[%mul3A_2] : memref<425984xi32, #tpu.memory_space<hbm>> -> memref<13312xi32, #tpu.memory_space<hbm>>
      tpu.enqueue_dma source(%dma_start3A_314 : memref<13312xi32, #tpu.memory_space<hbm>>) target(%arg5 : memref<13312xi32, #tpu.memory_space<vmem>>) target_semaphore(%run_scoped3A : memref<!tpu.dma_semaphore, #tpu.memory_space<semaphore_mem>>)
      %dma_wait3A_315 = tpu.memref_slice %arg2[%mul3A_2] : memref<425984xi32, #tpu.memory_space<hbm>> -> memref<13312xi32, #tpu.memory_space<hbm>>
      %dma_wait3A_316 = tpu.memref_slice %arg2[%mul3A_2] : memref<425984xi32, #tpu.memory_space<hbm>> -> memref<13312xi32, #tpu.memory_space<hbm>>
      tpu.wait_dma2 semaphore(%run_scoped3A : memref<!tpu.dma_semaphore, #tpu.memory_space<semaphore_mem>>) src(%dma_wait3A_316 : memref<13312xi32, #tpu.memory_space<hbm>>) dst(%arg5 : memref<13312xi32, #tpu.memory_space<vmem>>)
      tpu.yield
    }) : () -> ()
    %dma_start3A = arith.constant 0 : i32
    %dma_start3A_3 = tpu.memref_slice %arg5[%dma_start3A] : memref<13312xi32, #tpu.memory_space<vmem>> -> memref<512xi32, #tpu.memory_space<vmem>>
    %dma_start3A_4 = arith.constant 0 : i32
    %dma_start3A_5 = arith.constant 0 : i32
    %dma_start3A_6 = tpu.memref_slice %arg3[%dma_start3A_4, %dma_start3A_5] : memref<2000000x64xf32, #tpu.memory_space<hbm>> -> memref<2000000x64xf32, #tpu.memory_space<hbm>>
    tpu.enqueue_indirect_dma source(%dma_start3A_6 : memref<2000000x64xf32, #tpu.memory_space<hbm>>) target(%arg6 : memref<512x64xf32, #tpu.memory_space<vmem>>) offsets(%dma_start3A_3 : memref<512xi32, #tpu.memory_space<vmem>>) semaphore(%arg8 : memref<!tpu.dma_semaphore, #tpu.memory_space<semaphore_mem>>)
    %dma_start3A_7 = arith.constant 512 : i32
    %dma_start3A_8 = tpu.memref_slice %arg5[%dma_start3A_7] : memref<13312xi32, #tpu.memory_space<vmem>> -> memref<512xi32, #tpu.memory_space<vmem>>
    %dma_start3A_9 = arith.constant 0 : i32
    %dma_start3A_10 = arith.constant 0 : i32
    %dma_start3A_11 = tpu.memref_slice %arg3[%dma_start3A_9, %dma_start3A_10] : memref<2000000x64xf32, #tpu.memory_space<hbm>> -> memref<2000000x64xf32, #tpu.memory_space<hbm>>
    tpu.enqueue_indirect_dma source(%dma_start3A_11 : memref<2000000x64xf32, #tpu.memory_space<hbm>>) target(%arg7 : memref<512x64xf32, #tpu.memory_space<vmem>>) offsets(%dma_start3A_8 : memref<512xi32, #tpu.memory_space<vmem>>) semaphore(%arg9 : memref<!tpu.dma_semaphore, #tpu.memory_space<semaphore_mem>>)
    %dma_wait3A = arith.constant 0 : i32
    %dma_wait3A_12 = tpu.memref_slice %arg5[%dma_wait3A] : memref<13312xi32, #tpu.memory_space<vmem>> -> memref<512xi32, #tpu.memory_space<vmem>>
    %dma_wait3A_13 = arith.constant 0 : i32
    %dma_wait3A_14 = arith.constant 0 : i32
    %dma_wait3A_15 = tpu.memref_slice %arg3[%dma_wait3A_13, %dma_wait3A_14] : memref<2000000x64xf32, #tpu.memory_space<hbm>> -> memref<2000000x64xf32, #tpu.memory_space<hbm>>
    tpu.wait_indirect_dma semaphore(%arg8 : memref<!tpu.dma_semaphore, #tpu.memory_space<semaphore_mem>>) src(%dma_wait3A_15 : memref<2000000x64xf32, #tpu.memory_space<hbm>>) dst(%arg6 : memref<512x64xf32, #tpu.memory_space<vmem>>)
    %add3A_16 = arith.constant 0 : i32
    %add3A_17 = arith.addi %mul3A_2, %add3A_16 : i32
    "tpu.region"() ({
      %run_scoped3A = tpu.sem_alloc : memref<!tpu.dma_semaphore, #tpu.memory_space<semaphore_mem>>
      %dma_start3A_313 = arith.constant 0 : i32
      %dma_start3A_314 = tpu.memref_slice %arg4[%add3A_17, %dma_start3A_313] : memref<425984x64xf32, #tpu.memory_space<hbm>> -> memref<512x64xf32, #tpu.memory_space<hbm>>
      %dma_start3A_315 = arith.constant 0 : i32
      %dma_start3A_316 = tpu.memref_slice %arg4[%add3A_17, %dma_start3A_315] : memref<425984x64xf32, #tpu.memory_space<hbm>> -> memref<512x64xf32, #tpu.memory_space<hbm>>
      tpu.enqueue_dma source(%arg6 : memref<512x64xf32, #tpu.memory_space<vmem>>) target(%dma_start3A_316 : memref<512x64xf32, #tpu.memory_space<hbm>>) target_semaphore(%run_scoped3A : memref<!tpu.dma_semaphore, #tpu.memory_space<semaphore_mem>>)
      %dma_wait3A_317 = arith.constant 0 : i32
      %dma_wait3A_318 = tpu.memref_slice %arg4[%add3A_17, %dma_wait3A_317] : memref<425984x64xf32, #tpu.memory_space<hbm>> -> memref<512x64xf32, #tpu.memory_space<hbm>>
      %dma_wait3A_319 = arith.constant 0 : i32
      %dma_wait3A_320 = tpu.memref_slice %arg4[%add3A_17, %dma_wait3A_319] : memref<425984x64xf32, #tpu.memory_space<hbm>> -> memref<512x64xf32, #tpu.memory_space<hbm>>
      tpu.wait_dma2 semaphore(%run_scoped3A : memref<!tpu.dma_semaphore, #tpu.memory_space<semaphore_mem>>) src(%arg6 : memref<512x64xf32, #tpu.memory_space<vmem>>) dst(%dma_wait3A_320 : memref<512x64xf32, #tpu.memory_space<hbm>>)
      tpu.yield
    }) : () -> ()
    %dma_start3A_18 = arith.constant 1024 : i32
    %dma_start3A_19 = tpu.memref_slice %arg5[%dma_start3A_18] : memref<13312xi32, #tpu.memory_space<vmem>> -> memref<512xi32, #tpu.memory_space<vmem>>
    %dma_start3A_20 = arith.constant 0 : i32
    %dma_start3A_21 = arith.constant 0 : i32
    %dma_start3A_22 = tpu.memref_slice %arg3[%dma_start3A_20, %dma_start3A_21] : memref<2000000x64xf32, #tpu.memory_space<hbm>> -> memref<2000000x64xf32, #tpu.memory_space<hbm>>
    tpu.enqueue_indirect_dma source(%dma_start3A_22 : memref<2000000x64xf32, #tpu.memory_space<hbm>>) target(%arg6 : memref<512x64xf32, #tpu.memory_space<vmem>>) offsets(%dma_start3A_19 : memref<512xi32, #tpu.memory_space<vmem>>) semaphore(%arg8 : memref<!tpu.dma_semaphore, #tpu.memory_space<semaphore_mem>>)
    %dma_wait3A_23 = arith.constant 512 : i32
    %dma_wait3A_24 = tpu.memref_slice %arg5[%dma_wait3A_23] : memref<13312xi32, #tpu.memory_space<vmem>> -> memref<512xi32, #tpu.memory_space<vmem>>
    %dma_wait3A_25 = arith.constant 0 : i32
    %dma_wait3A_26 = arith.constant 0 : i32
    %dma_wait3A_27 = tpu.memref_slice %arg3[%dma_wait3A_25, %dma_wait3A_26] : memref<2000000x64xf32, #tpu.memory_space<hbm>> -> memref<2000000x64xf32, #tpu.memory_space<hbm>>
    tpu.wait_indirect_dma semaphore(%arg9 : memref<!tpu.dma_semaphore, #tpu.memory_space<semaphore_mem>>) src(%dma_wait3A_27 : memref<2000000x64xf32, #tpu.memory_space<hbm>>) dst(%arg7 : memref<512x64xf32, #tpu.memory_space<vmem>>)
    %add3A_28 = arith.constant 512 : i32
    %add3A_29 = arith.addi %mul3A_2, %add3A_28 : i32
    "tpu.region"() ({
      %run_scoped3A = tpu.sem_alloc : memref<!tpu.dma_semaphore, #tpu.memory_space<semaphore_mem>>
      %dma_start3A_313 = arith.constant 0 : i32
      %dma_start3A_314 = tpu.memref_slice %arg4[%add3A_29, %dma_start3A_313] : memref<425984x64xf32, #tpu.memory_space<hbm>> -> memref<512x64xf32, #tpu.memory_space<hbm>>
      %dma_start3A_315 = arith.constant 0 : i32
      %dma_start3A_316 = tpu.memref_slice %arg4[%add3A_29, %dma_start3A_315] : memref<425984x64xf32, #tpu.memory_space<hbm>> -> memref<512x64xf32, #tpu.memory_space<hbm>>
      tpu.enqueue_dma source(%arg7 : memref<512x64xf32, #tpu.memory_space<vmem>>) target(%dma_start3A_316 : memref<512x64xf32, #tpu.memory_space<hbm>>) target_semaphore(%run_scoped3A : memref<!tpu.dma_semaphore, #tpu.memory_space<semaphore_mem>>)
      %dma_wait3A_317 = arith.constant 0 : i32
      %dma_wait3A_318 = tpu.memref_slice %arg4[%add3A_29, %dma_wait3A_317] : memref<425984x64xf32, #tpu.memory_space<hbm>> -> memref<512x64xf32, #tpu.memory_space<hbm>>
      %dma_wait3A_319 = arith.constant 0 : i32
      %dma_wait3A_320 = tpu.memref_slice %arg4[%add3A_29, %dma_wait3A_319] : memref<425984x64xf32, #tpu.memory_space<hbm>> -> memref<512x64xf32, #tpu.memory_space<hbm>>
      tpu.wait_dma2 semaphore(%run_scoped3A : memref<!tpu.dma_semaphore, #tpu.memory_space<semaphore_mem>>) src(%arg7 : memref<512x64xf32, #tpu.memory_space<vmem>>) dst(%dma_wait3A_320 : memref<512x64xf32, #tpu.memory_space<hbm>>)
      tpu.yield
    }) : () -> ()
    %dma_start3A_30 = arith.constant 1536 : i32
    %dma_start3A_31 = tpu.memref_slice %arg5[%dma_start3A_30] : memref<13312xi32, #tpu.memory_space<vmem>> -> memref<512xi32, #tpu.memory_space<vmem>>
    %dma_start3A_32 = arith.constant 0 : i32
    %dma_start3A_33 = arith.constant 0 : i32
    %dma_start3A_34 = tpu.memref_slice %arg3[%dma_start3A_32, %dma_start3A_33] : memref<2000000x64xf32, #tpu.memory_space<hbm>> -> memref<2000000x64xf32, #tpu.memory_space<hbm>>
    tpu.enqueue_indirect_dma source(%dma_start3A_34 : memref<2000000x64xf32, #tpu.memory_space<hbm>>) target(%arg7 : memref<512x64xf32, #tpu.memory_space<vmem>>) offsets(%dma_start3A_31 : memref<512xi32, #tpu.memory_space<vmem>>) semaphore(%arg9 : memref<!tpu.dma_semaphore, #tpu.memory_space<semaphore_mem>>)
    %dma_wait3A_35 = arith.constant 1024 : i32
    %dma_wait3A_36 = tpu.memref_slice %arg5[%dma_wait3A_35] : memref<13312xi32, #tpu.memory_space<vmem>> -> memref<512xi32, #tpu.memory_space<vmem>>
    %dma_wait3A_37 = arith.constant 0 : i32
    %dma_wait3A_38 = arith.constant 0 : i32
    %dma_wait3A_39 = tpu.memref_slice %arg3[%dma_wait3A_37, %dma_wait3A_38] : memref<2000000x64xf32, #tpu.memory_space<hbm>> -> memref<2000000x64xf32, #tpu.memory_space<hbm>>
    tpu.wait_indirect_dma semaphore(%arg8 : memref<!tpu.dma_semaphore, #tpu.memory_space<semaphore_mem>>) src(%dma_wait3A_39 : memref<2000000x64xf32, #tpu.memory_space<hbm>>) dst(%arg6 : memref<512x64xf32, #tpu.memory_space<vmem>>)
    %add3A_40 = arith.constant 1024 : i32
    %add3A_41 = arith.addi %mul3A_2, %add3A_40 : i32
    "tpu.region"() ({
      %run_scoped3A = tpu.sem_alloc : memref<!tpu.dma_semaphore, #tpu.memory_space<semaphore_mem>>
      %dma_start3A_313 = arith.constant 0 : i32
      %dma_start3A_314 = tpu.memref_slice %arg4[%add3A_41, %dma_start3A_313] : memref<425984x64xf32, #tpu.memory_space<hbm>> -> memref<512x64xf32, #tpu.memory_space<hbm>>
      %dma_start3A_315 = arith.constant 0 : i32
      %dma_start3A_316 = tpu.memref_slice %arg4[%add3A_41, %dma_start3A_315] : memref<425984x64xf32, #tpu.memory_space<hbm>> -> memref<512x64xf32, #tpu.memory_space<hbm>>
      tpu.enqueue_dma source(%arg6 : memref<512x64xf32, #tpu.memory_space<vmem>>) target(%dma_start3A_316 : memref<512x64xf32, #tpu.memory_space<hbm>>) target_semaphore(%run_scoped3A : memref<!tpu.dma_semaphore, #tpu.memory_space<semaphore_mem>>)
      %dma_wait3A_317 = arith.constant 0 : i32
      %dma_wait3A_318 = tpu.memref_slice %arg4[%add3A_41, %dma_wait3A_317] : memref<425984x64xf32, #tpu.memory_space<hbm>> -> memref<512x64xf32, #tpu.memory_space<hbm>>
      %dma_wait3A_319 = arith.constant 0 : i32
      %dma_wait3A_320 = tpu.memref_slice %arg4[%add3A_41, %dma_wait3A_319] : memref<425984x64xf32, #tpu.memory_space<hbm>> -> memref<512x64xf32, #tpu.memory_space<hbm>>
      tpu.wait_dma2 semaphore(%run_scoped3A : memref<!tpu.dma_semaphore, #tpu.memory_space<semaphore_mem>>) src(%arg6 : memref<512x64xf32, #tpu.memory_space<vmem>>) dst(%dma_wait3A_320 : memref<512x64xf32, #tpu.memory_space<hbm>>)
      tpu.yield
    }) : () -> ()
    %dma_start3A_42 = arith.constant 2048 : i32
    %dma_start3A_43 = tpu.memref_slice %arg5[%dma_start3A_42] : memref<13312xi32, #tpu.memory_space<vmem>> -> memref<512xi32, #tpu.memory_space<vmem>>
    %dma_start3A_44 = arith.constant 0 : i32
    %dma_start3A_45 = arith.constant 0 : i32
    %dma_start3A_46 = tpu.memref_slice %arg3[%dma_start3A_44, %dma_start3A_45] : memref<2000000x64xf32, #tpu.memory_space<hbm>> -> memref<2000000x64xf32, #tpu.memory_space<hbm>>
    tpu.enqueue_indirect_dma source(%dma_start3A_46 : memref<2000000x64xf32, #tpu.memory_space<hbm>>) target(%arg6 : memref<512x64xf32, #tpu.memory_space<vmem>>) offsets(%dma_start3A_43 : memref<512xi32, #tpu.memory_space<vmem>>) semaphore(%arg8 : memref<!tpu.dma_semaphore, #tpu.memory_space<semaphore_mem>>)
    %dma_wait3A_47 = arith.constant 1536 : i32
    %dma_wait3A_48 = tpu.memref_slice %arg5[%dma_wait3A_47] : memref<13312xi32, #tpu.memory_space<vmem>> -> memref<512xi32, #tpu.memory_space<vmem>>
    %dma_wait3A_49 = arith.constant 0 : i32
    %dma_wait3A_50 = arith.constant 0 : i32
    %dma_wait3A_51 = tpu.memref_slice %arg3[%dma_wait3A_49, %dma_wait3A_50] : memref<2000000x64xf32, #tpu.memory_space<hbm>> -> memref<2000000x64xf32, #tpu.memory_space<hbm>>
    tpu.wait_indirect_dma semaphore(%arg9 : memref<!tpu.dma_semaphore, #tpu.memory_space<semaphore_mem>>) src(%dma_wait3A_51 : memref<2000000x64xf32, #tpu.memory_space<hbm>>) dst(%arg7 : memref<512x64xf32, #tpu.memory_space<vmem>>)
    %add3A_52 = arith.constant 1536 : i32
    %add3A_53 = arith.addi %mul3A_2, %add3A_52 : i32
    "tpu.region"() ({
      %run_scoped3A = tpu.sem_alloc : memref<!tpu.dma_semaphore, #tpu.memory_space<semaphore_mem>>
      %dma_start3A_313 = arith.constant 0 : i32
      %dma_start3A_314 = tpu.memref_slice %arg4[%add3A_53, %dma_start3A_313] : memref<425984x64xf32, #tpu.memory_space<hbm>> -> memref<512x64xf32, #tpu.memory_space<hbm>>
      %dma_start3A_315 = arith.constant 0 : i32
      %dma_start3A_316 = tpu.memref_slice %arg4[%add3A_53, %dma_start3A_315] : memref<425984x64xf32, #tpu.memory_space<hbm>> -> memref<512x64xf32, #tpu.memory_space<hbm>>
      tpu.enqueue_dma source(%arg7 : memref<512x64xf32, #tpu.memory_space<vmem>>) target(%dma_start3A_316 : memref<512x64xf32, #tpu.memory_space<hbm>>) target_semaphore(%run_scoped3A : memref<!tpu.dma_semaphore, #tpu.memory_space<semaphore_mem>>)
      %dma_wait3A_317 = arith.constant 0 : i32
      %dma_wait3A_318 = tpu.memref_slice %arg4[%add3A_53, %dma_wait3A_317] : memref<425984x64xf32, #tpu.memory_space<hbm>> -> memref<512x64xf32, #tpu.memory_space<hbm>>
      %dma_wait3A_319 = arith.constant 0 : i32
      %dma_wait3A_320 = tpu.memref_slice %arg4[%add3A_53, %dma_wait3A_319] : memref<425984x64xf32, #tpu.memory_space<hbm>> -> memref<512x64xf32, #tpu.memory_space<hbm>>
      tpu.wait_dma2 semaphore(%run_scoped3A : memref<!tpu.dma_semaphore, #tpu.memory_space<semaphore_mem>>) src(%arg7 : memref<512x64xf32, #tpu.memory_space<vmem>>) dst(%dma_wait3A_320 : memref<512x64xf32, #tpu.memory_space<hbm>>)
      tpu.yield
    }) : () -> ()
    %dma_start3A_54 = arith.constant 2560 : i32
    %dma_start3A_55 = tpu.memref_slice %arg5[%dma_start3A_54] : memref<13312xi32, #tpu.memory_space<vmem>> -> memref<512xi32, #tpu.memory_space<vmem>>
    %dma_start3A_56 = arith.constant 0 : i32
    %dma_start3A_57 = arith.constant 0 : i32
    %dma_start3A_58 = tpu.memref_slice %arg3[%dma_start3A_56, %dma_start3A_57] : memref<2000000x64xf32, #tpu.memory_space<hbm>> -> memref<2000000x64xf32, #tpu.memory_space<hbm>>
    tpu.enqueue_indirect_dma source(%dma_start3A_58 : memref<2000000x64xf32, #tpu.memory_space<hbm>>) target(%arg7 : memref<512x64xf32, #tpu.memory_space<vmem>>) offsets(%dma_start3A_55 : memref<512xi32, #tpu.memory_space<vmem>>) semaphore(%arg9 : memref<!tpu.dma_semaphore, #tpu.memory_space<semaphore_mem>>)
    %dma_wait3A_59 = arith.constant 2048 : i32
    %dma_wait3A_60 = tpu.memref_slice %arg5[%dma_wait3A_59] : memref<13312xi32, #tpu.memory_space<vmem>> -> memref<512xi32, #tpu.memory_space<vmem>>
    %dma_wait3A_61 = arith.constant 0 : i32
    %dma_wait3A_62 = arith.constant 0 : i32
    %dma_wait3A_63 = tpu.memref_slice %arg3[%dma_wait3A_61, %dma_wait3A_62] : memref<2000000x64xf32, #tpu.memory_space<hbm>> -> memref<2000000x64xf32, #tpu.memory_space<hbm>>
    tpu.wait_indirect_dma semaphore(%arg8 : memref<!tpu.dma_semaphore, #tpu.memory_space<semaphore_mem>>) src(%dma_wait3A_63 : memref<2000000x64xf32, #tpu.memory_space<hbm>>) dst(%arg6 : memref<512x64xf32, #tpu.memory_space<vmem>>)
    %add3A_64 = arith.constant 2048 : i32
    %add3A_65 = arith.addi %mul3A_2, %add3A_64 : i32
    "tpu.region"() ({
      %run_scoped3A = tpu.sem_alloc : memref<!tpu.dma_semaphore, #tpu.memory_space<semaphore_mem>>
      %dma_start3A_313 = arith.constant 0 : i32
      %dma_start3A_314 = tpu.memref_slice %arg4[%add3A_65, %dma_start3A_313] : memref<425984x64xf32, #tpu.memory_space<hbm>> -> memref<512x64xf32, #tpu.memory_space<hbm>>
      %dma_start3A_315 = arith.constant 0 : i32
      %dma_start3A_316 = tpu.memref_slice %arg4[%add3A_65, %dma_start3A_315] : memref<425984x64xf32, #tpu.memory_space<hbm>> -> memref<512x64xf32, #tpu.memory_space<hbm>>
      tpu.enqueue_dma source(%arg6 : memref<512x64xf32, #tpu.memory_space<vmem>>) target(%dma_start3A_316 : memref<512x64xf32, #tpu.memory_space<hbm>>) target_semaphore(%run_scoped3A : memref<!tpu.dma_semaphore, #tpu.memory_space<semaphore_mem>>)
      %dma_wait3A_317 = arith.constant 0 : i32
      %dma_wait3A_318 = tpu.memref_slice %arg4[%add3A_65, %dma_wait3A_317] : memref<425984x64xf32, #tpu.memory_space<hbm>> -> memref<512x64xf32, #tpu.memory_space<hbm>>
      %dma_wait3A_319 = arith.constant 0 : i32
      %dma_wait3A_320 = tpu.memref_slice %arg4[%add3A_65, %dma_wait3A_319] : memref<425984x64xf32, #tpu.memory_space<hbm>> -> memref<512x64xf32, #tpu.memory_space<hbm>>
      tpu.wait_dma2 semaphore(%run_scoped3A : memref<!tpu.dma_semaphore, #tpu.memory_space<semaphore_mem>>) src(%arg6 : memref<512x64xf32, #tpu.memory_space<vmem>>) dst(%dma_wait3A_320 : memref<512x64xf32, #tpu.memory_space<hbm>>)
      tpu.yield
    }) : () -> ()
    %dma_start3A_66 = arith.constant 3072 : i32
    %dma_start3A_67 = tpu.memref_slice %arg5[%dma_start3A_66] : memref<13312xi32, #tpu.memory_space<vmem>> -> memref<512xi32, #tpu.memory_space<vmem>>
    %dma_start3A_68 = arith.constant 0 : i32
    %dma_start3A_69 = arith.constant 0 : i32
    %dma_start3A_70 = tpu.memref_slice %arg3[%dma_start3A_68, %dma_start3A_69] : memref<2000000x64xf32, #tpu.memory_space<hbm>> -> memref<2000000x64xf32, #tpu.memory_space<hbm>>
    tpu.enqueue_indirect_dma source(%dma_start3A_70 : memref<2000000x64xf32, #tpu.memory_space<hbm>>) target(%arg6 : memref<512x64xf32, #tpu.memory_space<vmem>>) offsets(%dma_start3A_67 : memref<512xi32, #tpu.memory_space<vmem>>) semaphore(%arg8 : memref<!tpu.dma_semaphore, #tpu.memory_space<semaphore_mem>>)
    %dma_wait3A_71 = arith.constant 2560 : i32
    %dma_wait3A_72 = tpu.memref_slice %arg5[%dma_wait3A_71] : memref<13312xi32, #tpu.memory_space<vmem>> -> memref<512xi32, #tpu.memory_space<vmem>>
    %dma_wait3A_73 = arith.constant 0 : i32
    %dma_wait3A_74 = arith.constant 0 : i32
    %dma_wait3A_75 = tpu.memref_slice %arg3[%dma_wait3A_73, %dma_wait3A_74] : memref<2000000x64xf32, #tpu.memory_space<hbm>> -> memref<2000000x64xf32, #tpu.memory_space<hbm>>
    tpu.wait_indirect_dma semaphore(%arg9 : memref<!tpu.dma_semaphore, #tpu.memory_space<semaphore_mem>>) src(%dma_wait3A_75 : memref<2000000x64xf32, #tpu.memory_space<hbm>>) dst(%arg7 : memref<512x64xf32, #tpu.memory_space<vmem>>)
    %add3A_76 = arith.constant 2560 : i32
    %add3A_77 = arith.addi %mul3A_2, %add3A_76 : i32
    "tpu.region"() ({
      %run_scoped3A = tpu.sem_alloc : memref<!tpu.dma_semaphore, #tpu.memory_space<semaphore_mem>>
      %dma_start3A_313 = arith.constant 0 : i32
      %dma_start3A_314 = tpu.memref_slice %arg4[%add3A_77, %dma_start3A_313] : memref<425984x64xf32, #tpu.memory_space<hbm>> -> memref<512x64xf32, #tpu.memory_space<hbm>>
      %dma_start3A_315 = arith.constant 0 : i32
      %dma_start3A_316 = tpu.memref_slice %arg4[%add3A_77, %dma_start3A_315] : memref<425984x64xf32, #tpu.memory_space<hbm>> -> memref<512x64xf32, #tpu.memory_space<hbm>>
      tpu.enqueue_dma source(%arg7 : memref<512x64xf32, #tpu.memory_space<vmem>>) target(%dma_start3A_316 : memref<512x64xf32, #tpu.memory_space<hbm>>) target_semaphore(%run_scoped3A : memref<!tpu.dma_semaphore, #tpu.memory_space<semaphore_mem>>)
      %dma_wait3A_317 = arith.constant 0 : i32
      %dma_wait3A_318 = tpu.memref_slice %arg4[%add3A_77, %dma_wait3A_317] : memref<425984x64xf32, #tpu.memory_space<hbm>> -> memref<512x64xf32, #tpu.memory_space<hbm>>
      %dma_wait3A_319 = arith.constant 0 : i32
      %dma_wait3A_320 = tpu.memref_slice %arg4[%add3A_77, %dma_wait3A_319] : memref<425984x64xf32, #tpu.memory_space<hbm>> -> memref<512x64xf32, #tpu.memory_space<hbm>>
      tpu.wait_dma2 semaphore(%run_scoped3A : memref<!tpu.dma_semaphore, #tpu.memory_space<semaphore_mem>>) src(%arg7 : memref<512x64xf32, #tpu.memory_space<vmem>>) dst(%dma_wait3A_320 : memref<512x64xf32, #tpu.memory_space<hbm>>)
      tpu.yield
    }) : () -> ()
    %dma_start3A_78 = arith.constant 3584 : i32
    %dma_start3A_79 = tpu.memref_slice %arg5[%dma_start3A_78] : memref<13312xi32, #tpu.memory_space<vmem>> -> memref<512xi32, #tpu.memory_space<vmem>>
    %dma_start3A_80 = arith.constant 0 : i32
    %dma_start3A_81 = arith.constant 0 : i32
    %dma_start3A_82 = tpu.memref_slice %arg3[%dma_start3A_80, %dma_start3A_81] : memref<2000000x64xf32, #tpu.memory_space<hbm>> -> memref<2000000x64xf32, #tpu.memory_space<hbm>>
    tpu.enqueue_indirect_dma source(%dma_start3A_82 : memref<2000000x64xf32, #tpu.memory_space<hbm>>) target(%arg7 : memref<512x64xf32, #tpu.memory_space<vmem>>) offsets(%dma_start3A_79 : memref<512xi32, #tpu.memory_space<vmem>>) semaphore(%arg9 : memref<!tpu.dma_semaphore, #tpu.memory_space<semaphore_mem>>)
    %dma_wait3A_83 = arith.constant 3072 : i32
    %dma_wait3A_84 = tpu.memref_slice %arg5[%dma_wait3A_83] : memref<13312xi32, #tpu.memory_space<vmem>> -> memref<512xi32, #tpu.memory_space<vmem>>
    %dma_wait3A_85 = arith.constant 0 : i32
    %dma_wait3A_86 = arith.constant 0 : i32
    %dma_wait3A_87 = tpu.memref_slice %arg3[%dma_wait3A_85, %dma_wait3A_86] : memref<2000000x64xf32, #tpu.memory_space<hbm>> -> memref<2000000x64xf32, #tpu.memory_space<hbm>>
    tpu.wait_indirect_dma semaphore(%arg8 : memref<!tpu.dma_semaphore, #tpu.memory_space<semaphore_mem>>) src(%dma_wait3A_87 : memref<2000000x64xf32, #tpu.memory_space<hbm>>) dst(%arg6 : memref<512x64xf32, #tpu.memory_space<vmem>>)
    %add3A_88 = arith.constant 3072 : i32
    %add3A_89 = arith.addi %mul3A_2, %add3A_88 : i32
    "tpu.region"() ({
      %run_scoped3A = tpu.sem_alloc : memref<!tpu.dma_semaphore, #tpu.memory_space<semaphore_mem>>
      %dma_start3A_313 = arith.constant 0 : i32
      %dma_start3A_314 = tpu.memref_slice %arg4[%add3A_89, %dma_start3A_313] : memref<425984x64xf32, #tpu.memory_space<hbm>> -> memref<512x64xf32, #tpu.memory_space<hbm>>
      %dma_start3A_315 = arith.constant 0 : i32
      %dma_start3A_316 = tpu.memref_slice %arg4[%add3A_89, %dma_start3A_315] : memref<425984x64xf32, #tpu.memory_space<hbm>> -> memref<512x64xf32, #tpu.memory_space<hbm>>
      tpu.enqueue_dma source(%arg6 : memref<512x64xf32, #tpu.memory_space<vmem>>) target(%dma_start3A_316 : memref<512x64xf32, #tpu.memory_space<hbm>>) target_semaphore(%run_scoped3A : memref<!tpu.dma_semaphore, #tpu.memory_space<semaphore_mem>>)
      %dma_wait3A_317 = arith.constant 0 : i32
      %dma_wait3A_318 = tpu.memref_slice %arg4[%add3A_89, %dma_wait3A_317] : memref<425984x64xf32, #tpu.memory_space<hbm>> -> memref<512x64xf32, #tpu.memory_space<hbm>>
      %dma_wait3A_319 = arith.constant 0 : i32
      %dma_wait3A_320 = tpu.memref_slice %arg4[%add3A_89, %dma_wait3A_319] : memref<425984x64xf32, #tpu.memory_space<hbm>> -> memref<512x64xf32, #tpu.memory_space<hbm>>
      tpu.wait_dma2 semaphore(%run_scoped3A : memref<!tpu.dma_semaphore, #tpu.memory_space<semaphore_mem>>) src(%arg6 : memref<512x64xf32, #tpu.memory_space<vmem>>) dst(%dma_wait3A_320 : memref<512x64xf32, #tpu.memory_space<hbm>>)
      tpu.yield
    }) : () -> ()
    %dma_start3A_90 = arith.constant 4096 : i32
    %dma_start3A_91 = tpu.memref_slice %arg5[%dma_start3A_90] : memref<13312xi32, #tpu.memory_space<vmem>> -> memref<512xi32, #tpu.memory_space<vmem>>
    %dma_start3A_92 = arith.constant 0 : i32
    %dma_start3A_93 = arith.constant 0 : i32
    %dma_start3A_94 = tpu.memref_slice %arg3[%dma_start3A_92, %dma_start3A_93] : memref<2000000x64xf32, #tpu.memory_space<hbm>> -> memref<2000000x64xf32, #tpu.memory_space<hbm>>
    tpu.enqueue_indirect_dma source(%dma_start3A_94 : memref<2000000x64xf32, #tpu.memory_space<hbm>>) target(%arg6 : memref<512x64xf32, #tpu.memory_space<vmem>>) offsets(%dma_start3A_91 : memref<512xi32, #tpu.memory_space<vmem>>) semaphore(%arg8 : memref<!tpu.dma_semaphore, #tpu.memory_space<semaphore_mem>>)
    %dma_wait3A_95 = arith.constant 3584 : i32
    %dma_wait3A_96 = tpu.memref_slice %arg5[%dma_wait3A_95] : memref<13312xi32, #tpu.memory_space<vmem>> -> memref<512xi32, #tpu.memory_space<vmem>>
    %dma_wait3A_97 = arith.constant 0 : i32
    %dma_wait3A_98 = arith.constant 0 : i32
    %dma_wait3A_99 = tpu.memref_slice %arg3[%dma_wait3A_97, %dma_wait3A_98] : memref<2000000x64xf32, #tpu.memory_space<hbm>> -> memref<2000000x64xf32, #tpu.memory_space<hbm>>
    tpu.wait_indirect_dma semaphore(%arg9 : memref<!tpu.dma_semaphore, #tpu.memory_space<semaphore_mem>>) src(%dma_wait3A_99 : memref<2000000x64xf32, #tpu.memory_space<hbm>>) dst(%arg7 : memref<512x64xf32, #tpu.memory_space<vmem>>)
    %add3A_100 = arith.constant 3584 : i32
    %add3A_101 = arith.addi %mul3A_2, %add3A_100 : i32
    "tpu.region"() ({
      %run_scoped3A = tpu.sem_alloc : memref<!tpu.dma_semaphore, #tpu.memory_space<semaphore_mem>>
      %dma_start3A_313 = arith.constant 0 : i32
      %dma_start3A_314 = tpu.memref_slice %arg4[%add3A_101, %dma_start3A_313] : memref<425984x64xf32, #tpu.memory_space<hbm>> -> memref<512x64xf32, #tpu.memory_space<hbm>>
      %dma_start3A_315 = arith.constant 0 : i32
      %dma_start3A_316 = tpu.memref_slice %arg4[%add3A_101, %dma_start3A_315] : memref<425984x64xf32, #tpu.memory_space<hbm>> -> memref<512x64xf32, #tpu.memory_space<hbm>>
      tpu.enqueue_dma source(%arg7 : memref<512x64xf32, #tpu.memory_space<vmem>>) target(%dma_start3A_316 : memref<512x64xf32, #tpu.memory_space<hbm>>) target_semaphore(%run_scoped3A : memref<!tpu.dma_semaphore, #tpu.memory_space<semaphore_mem>>)
      %dma_wait3A_317 = arith.constant 0 : i32
      %dma_wait3A_318 = tpu.memref_slice %arg4[%add3A_101, %dma_wait3A_317] : memref<425984x64xf32, #tpu.memory_space<hbm>> -> memref<512x64xf32, #tpu.memory_space<hbm>>
      %dma_wait3A_319 = arith.constant 0 : i32
      %dma_wait3A_320 = tpu.memref_slice %arg4[%add3A_101, %dma_wait3A_319] : memref<425984x64xf32, #tpu.memory_space<hbm>> -> memref<512x64xf32, #tpu.memory_space<hbm>>
      tpu.wait_dma2 semaphore(%run_scoped3A : memref<!tpu.dma_semaphore, #tpu.memory_space<semaphore_mem>>) src(%arg7 : memref<512x64xf32, #tpu.memory_space<vmem>>) dst(%dma_wait3A_320 : memref<512x64xf32, #tpu.memory_space<hbm>>)
      tpu.yield
    }) : () -> ()
    %dma_start3A_102 = arith.constant 4608 : i32
    %dma_start3A_103 = tpu.memref_slice %arg5[%dma_start3A_102] : memref<13312xi32, #tpu.memory_space<vmem>> -> memref<512xi32, #tpu.memory_space<vmem>>
    %dma_start3A_104 = arith.constant 0 : i32
    %dma_start3A_105 = arith.constant 0 : i32
    %dma_start3A_106 = tpu.memref_slice %arg3[%dma_start3A_104, %dma_start3A_105] : memref<2000000x64xf32, #tpu.memory_space<hbm>> -> memref<2000000x64xf32, #tpu.memory_space<hbm>>
    tpu.enqueue_indirect_dma source(%dma_start3A_106 : memref<2000000x64xf32, #tpu.memory_space<hbm>>) target(%arg7 : memref<512x64xf32, #tpu.memory_space<vmem>>) offsets(%dma_start3A_103 : memref<512xi32, #tpu.memory_space<vmem>>) semaphore(%arg9 : memref<!tpu.dma_semaphore, #tpu.memory_space<semaphore_mem>>)
    %dma_wait3A_107 = arith.constant 4096 : i32
    %dma_wait3A_108 = tpu.memref_slice %arg5[%dma_wait3A_107] : memref<13312xi32, #tpu.memory_space<vmem>> -> memref<512xi32, #tpu.memory_space<vmem>>
    %dma_wait3A_109 = arith.constant 0 : i32
    %dma_wait3A_110 = arith.constant 0 : i32
    %dma_wait3A_111 = tpu.memref_slice %arg3[%dma_wait3A_109, %dma_wait3A_110] : memref<2000000x64xf32, #tpu.memory_space<hbm>> -> memref<2000000x64xf32, #tpu.memory_space<hbm>>
    tpu.wait_indirect_dma semaphore(%arg8 : memref<!tpu.dma_semaphore, #tpu.memory_space<semaphore_mem>>) src(%dma_wait3A_111 : memref<2000000x64xf32, #tpu.memory_space<hbm>>) dst(%arg6 : memref<512x64xf32, #tpu.memory_space<vmem>>)
    %add3A_112 = arith.constant 4096 : i32
    %add3A_113 = arith.addi %mul3A_2, %add3A_112 : i32
    "tpu.region"() ({
      %run_scoped3A = tpu.sem_alloc : memref<!tpu.dma_semaphore, #tpu.memory_space<semaphore_mem>>
      %dma_start3A_313 = arith.constant 0 : i32
      %dma_start3A_314 = tpu.memref_slice %arg4[%add3A_113, %dma_start3A_313] : memref<425984x64xf32, #tpu.memory_space<hbm>> -> memref<512x64xf32, #tpu.memory_space<hbm>>
      %dma_start3A_315 = arith.constant 0 : i32
      %dma_start3A_316 = tpu.memref_slice %arg4[%add3A_113, %dma_start3A_315] : memref<425984x64xf32, #tpu.memory_space<hbm>> -> memref<512x64xf32, #tpu.memory_space<hbm>>
      tpu.enqueue_dma source(%arg6 : memref<512x64xf32, #tpu.memory_space<vmem>>) target(%dma_start3A_316 : memref<512x64xf32, #tpu.memory_space<hbm>>) target_semaphore(%run_scoped3A : memref<!tpu.dma_semaphore, #tpu.memory_space<semaphore_mem>>)
      %dma_wait3A_317 = arith.constant 0 : i32
      %dma_wait3A_318 = tpu.memref_slice %arg4[%add3A_113, %dma_wait3A_317] : memref<425984x64xf32, #tpu.memory_space<hbm>> -> memref<512x64xf32, #tpu.memory_space<hbm>>
      %dma_wait3A_319 = arith.constant 0 : i32
      %dma_wait3A_320 = tpu.memref_slice %arg4[%add3A_113, %dma_wait3A_319] : memref<425984x64xf32, #tpu.memory_space<hbm>> -> memref<512x64xf32, #tpu.memory_space<hbm>>
      tpu.wait_dma2 semaphore(%run_scoped3A : memref<!tpu.dma_semaphore, #tpu.memory_space<semaphore_mem>>) src(%arg6 : memref<512x64xf32, #tpu.memory_space<vmem>>) dst(%dma_wait3A_320 : memref<512x64xf32, #tpu.memory_space<hbm>>)
      tpu.yield
    }) : () -> ()
    %dma_start3A_114 = arith.constant 5120 : i32
    %dma_start3A_115 = tpu.memref_slice %arg5[%dma_start3A_114] : memref<13312xi32, #tpu.memory_space<vmem>> -> memref<512xi32, #tpu.memory_space<vmem>>
    %dma_start3A_116 = arith.constant 0 : i32
    %dma_start3A_117 = arith.constant 0 : i32
    %dma_start3A_118 = tpu.memref_slice %arg3[%dma_start3A_116, %dma_start3A_117] : memref<2000000x64xf32, #tpu.memory_space<hbm>> -> memref<2000000x64xf32, #tpu.memory_space<hbm>>
    tpu.enqueue_indirect_dma source(%dma_start3A_118 : memref<2000000x64xf32, #tpu.memory_space<hbm>>) target(%arg6 : memref<512x64xf32, #tpu.memory_space<vmem>>) offsets(%dma_start3A_115 : memref<512xi32, #tpu.memory_space<vmem>>) semaphore(%arg8 : memref<!tpu.dma_semaphore, #tpu.memory_space<semaphore_mem>>)
    %dma_wait3A_119 = arith.constant 4608 : i32
    %dma_wait3A_120 = tpu.memref_slice %arg5[%dma_wait3A_119] : memref<13312xi32, #tpu.memory_space<vmem>> -> memref<512xi32, #tpu.memory_space<vmem>>
    %dma_wait3A_121 = arith.constant 0 : i32
    %dma_wait3A_122 = arith.constant 0 : i32
    %dma_wait3A_123 = tpu.memref_slice %arg3[%dma_wait3A_121, %dma_wait3A_122] : memref<2000000x64xf32, #tpu.memory_space<hbm>> -> memref<2000000x64xf32, #tpu.memory_space<hbm>>
    tpu.wait_indirect_dma semaphore(%arg9 : memref<!tpu.dma_semaphore, #tpu.memory_space<semaphore_mem>>) src(%dma_wait3A_123 : memref<2000000x64xf32, #tpu.memory_space<hbm>>) dst(%arg7 : memref<512x64xf32, #tpu.memory_space<vmem>>)
    %add3A_124 = arith.constant 4608 : i32
    %add3A_125 = arith.addi %mul3A_2, %add3A_124 : i32
    "tpu.region"() ({
      %run_scoped3A = tpu.sem_alloc : memref<!tpu.dma_semaphore, #tpu.memory_space<semaphore_mem>>
      %dma_start3A_313 = arith.constant 0 : i32
      %dma_start3A_314 = tpu.memref_slice %arg4[%add3A_125, %dma_start3A_313] : memref<425984x64xf32, #tpu.memory_space<hbm>> -> memref<512x64xf32, #tpu.memory_space<hbm>>
      %dma_start3A_315 = arith.constant 0 : i32
      %dma_start3A_316 = tpu.memref_slice %arg4[%add3A_125, %dma_start3A_315] : memref<425984x64xf32, #tpu.memory_space<hbm>> -> memref<512x64xf32, #tpu.memory_space<hbm>>
      tpu.enqueue_dma source(%arg7 : memref<512x64xf32, #tpu.memory_space<vmem>>) target(%dma_start3A_316 : memref<512x64xf32, #tpu.memory_space<hbm>>) target_semaphore(%run_scoped3A : memref<!tpu.dma_semaphore, #tpu.memory_space<semaphore_mem>>)
      %dma_wait3A_317 = arith.constant 0 : i32
      %dma_wait3A_318 = tpu.memref_slice %arg4[%add3A_125, %dma_wait3A_317] : memref<425984x64xf32, #tpu.memory_space<hbm>> -> memref<512x64xf32, #tpu.memory_space<hbm>>
      %dma_wait3A_319 = arith.constant 0 : i32
      %dma_wait3A_320 = tpu.memref_slice %arg4[%add3A_125, %dma_wait3A_319] : memref<425984x64xf32, #tpu.memory_space<hbm>> -> memref<512x64xf32, #tpu.memory_space<hbm>>
      tpu.wait_dma2 semaphore(%run_scoped3A : memref<!tpu.dma_semaphore, #tpu.memory_space<semaphore_mem>>) src(%arg7 : memref<512x64xf32, #tpu.memory_space<vmem>>) dst(%dma_wait3A_320 : memref<512x64xf32, #tpu.memory_space<hbm>>)
      tpu.yield
    }) : () -> ()
    %dma_start3A_126 = arith.constant 5632 : i32
    %dma_start3A_127 = tpu.memref_slice %arg5[%dma_start3A_126] : memref<13312xi32, #tpu.memory_space<vmem>> -> memref<512xi32, #tpu.memory_space<vmem>>
    %dma_start3A_128 = arith.constant 0 : i32
    %dma_start3A_129 = arith.constant 0 : i32
    %dma_start3A_130 = tpu.memref_slice %arg3[%dma_start3A_128, %dma_start3A_129] : memref<2000000x64xf32, #tpu.memory_space<hbm>> -> memref<2000000x64xf32, #tpu.memory_space<hbm>>
    tpu.enqueue_indirect_dma source(%dma_start3A_130 : memref<2000000x64xf32, #tpu.memory_space<hbm>>) target(%arg7 : memref<512x64xf32, #tpu.memory_space<vmem>>) offsets(%dma_start3A_127 : memref<512xi32, #tpu.memory_space<vmem>>) semaphore(%arg9 : memref<!tpu.dma_semaphore, #tpu.memory_space<semaphore_mem>>)
    %dma_wait3A_131 = arith.constant 5120 : i32
    %dma_wait3A_132 = tpu.memref_slice %arg5[%dma_wait3A_131] : memref<13312xi32, #tpu.memory_space<vmem>> -> memref<512xi32, #tpu.memory_space<vmem>>
    %dma_wait3A_133 = arith.constant 0 : i32
    %dma_wait3A_134 = arith.constant 0 : i32
    %dma_wait3A_135 = tpu.memref_slice %arg3[%dma_wait3A_133, %dma_wait3A_134] : memref<2000000x64xf32, #tpu.memory_space<hbm>> -> memref<2000000x64xf32, #tpu.memory_space<hbm>>
    tpu.wait_indirect_dma semaphore(%arg8 : memref<!tpu.dma_semaphore, #tpu.memory_space<semaphore_mem>>) src(%dma_wait3A_135 : memref<2000000x64xf32, #tpu.memory_space<hbm>>) dst(%arg6 : memref<512x64xf32, #tpu.memory_space<vmem>>)
    %add3A_136 = arith.constant 5120 : i32
    %add3A_137 = arith.addi %mul3A_2, %add3A_136 : i32
    "tpu.region"() ({
      %run_scoped3A = tpu.sem_alloc : memref<!tpu.dma_semaphore, #tpu.memory_space<semaphore_mem>>
      %dma_start3A_313 = arith.constant 0 : i32
      %dma_start3A_314 = tpu.memref_slice %arg4[%add3A_137, %dma_start3A_313] : memref<425984x64xf32, #tpu.memory_space<hbm>> -> memref<512x64xf32, #tpu.memory_space<hbm>>
      %dma_start3A_315 = arith.constant 0 : i32
      %dma_start3A_316 = tpu.memref_slice %arg4[%add3A_137, %dma_start3A_315] : memref<425984x64xf32, #tpu.memory_space<hbm>> -> memref<512x64xf32, #tpu.memory_space<hbm>>
      tpu.enqueue_dma source(%arg6 : memref<512x64xf32, #tpu.memory_space<vmem>>) target(%dma_start3A_316 : memref<512x64xf32, #tpu.memory_space<hbm>>) target_semaphore(%run_scoped3A : memref<!tpu.dma_semaphore, #tpu.memory_space<semaphore_mem>>)
      %dma_wait3A_317 = arith.constant 0 : i32
      %dma_wait3A_318 = tpu.memref_slice %arg4[%add3A_137, %dma_wait3A_317] : memref<425984x64xf32, #tpu.memory_space<hbm>> -> memref<512x64xf32, #tpu.memory_space<hbm>>
      %dma_wait3A_319 = arith.constant 0 : i32
      %dma_wait3A_320 = tpu.memref_slice %arg4[%add3A_137, %dma_wait3A_319] : memref<425984x64xf32, #tpu.memory_space<hbm>> -> memref<512x64xf32, #tpu.memory_space<hbm>>
      tpu.wait_dma2 semaphore(%run_scoped3A : memref<!tpu.dma_semaphore, #tpu.memory_space<semaphore_mem>>) src(%arg6 : memref<512x64xf32, #tpu.memory_space<vmem>>) dst(%dma_wait3A_320 : memref<512x64xf32, #tpu.memory_space<hbm>>)
      tpu.yield
    }) : () -> ()
    %dma_start3A_138 = arith.constant 6144 : i32
    %dma_start3A_139 = tpu.memref_slice %arg5[%dma_start3A_138] : memref<13312xi32, #tpu.memory_space<vmem>> -> memref<512xi32, #tpu.memory_space<vmem>>
    %dma_start3A_140 = arith.constant 0 : i32
    %dma_start3A_141 = arith.constant 0 : i32
    %dma_start3A_142 = tpu.memref_slice %arg3[%dma_start3A_140, %dma_start3A_141] : memref<2000000x64xf32, #tpu.memory_space<hbm>> -> memref<2000000x64xf32, #tpu.memory_space<hbm>>
    tpu.enqueue_indirect_dma source(%dma_start3A_142 : memref<2000000x64xf32, #tpu.memory_space<hbm>>) target(%arg6 : memref<512x64xf32, #tpu.memory_space<vmem>>) offsets(%dma_start3A_139 : memref<512xi32, #tpu.memory_space<vmem>>) semaphore(%arg8 : memref<!tpu.dma_semaphore, #tpu.memory_space<semaphore_mem>>)
    %dma_wait3A_143 = arith.constant 5632 : i32
    %dma_wait3A_144 = tpu.memref_slice %arg5[%dma_wait3A_143] : memref<13312xi32, #tpu.memory_space<vmem>> -> memref<512xi32, #tpu.memory_space<vmem>>
    %dma_wait3A_145 = arith.constant 0 : i32
    %dma_wait3A_146 = arith.constant 0 : i32
    %dma_wait3A_147 = tpu.memref_slice %arg3[%dma_wait3A_145, %dma_wait3A_146] : memref<2000000x64xf32, #tpu.memory_space<hbm>> -> memref<2000000x64xf32, #tpu.memory_space<hbm>>
    tpu.wait_indirect_dma semaphore(%arg9 : memref<!tpu.dma_semaphore, #tpu.memory_space<semaphore_mem>>) src(%dma_wait3A_147 : memref<2000000x64xf32, #tpu.memory_space<hbm>>) dst(%arg7 : memref<512x64xf32, #tpu.memory_space<vmem>>)
    %add3A_148 = arith.constant 5632 : i32
    %add3A_149 = arith.addi %mul3A_2, %add3A_148 : i32
    "tpu.region"() ({
      %run_scoped3A = tpu.sem_alloc : memref<!tpu.dma_semaphore, #tpu.memory_space<semaphore_mem>>
      %dma_start3A_313 = arith.constant 0 : i32
      %dma_start3A_314 = tpu.memref_slice %arg4[%add3A_149, %dma_start3A_313] : memref<425984x64xf32, #tpu.memory_space<hbm>> -> memref<512x64xf32, #tpu.memory_space<hbm>>
      %dma_start3A_315 = arith.constant 0 : i32
      %dma_start3A_316 = tpu.memref_slice %arg4[%add3A_149, %dma_start3A_315] : memref<425984x64xf32, #tpu.memory_space<hbm>> -> memref<512x64xf32, #tpu.memory_space<hbm>>
      tpu.enqueue_dma source(%arg7 : memref<512x64xf32, #tpu.memory_space<vmem>>) target(%dma_start3A_316 : memref<512x64xf32, #tpu.memory_space<hbm>>) target_semaphore(%run_scoped3A : memref<!tpu.dma_semaphore, #tpu.memory_space<semaphore_mem>>)
      %dma_wait3A_317 = arith.constant 0 : i32
      %dma_wait3A_318 = tpu.memref_slice %arg4[%add3A_149, %dma_wait3A_317] : memref<425984x64xf32, #tpu.memory_space<hbm>> -> memref<512x64xf32, #tpu.memory_space<hbm>>
      %dma_wait3A_319 = arith.constant 0 : i32
      %dma_wait3A_320 = tpu.memref_slice %arg4[%add3A_149, %dma_wait3A_319] : memref<425984x64xf32, #tpu.memory_space<hbm>> -> memref<512x64xf32, #tpu.memory_space<hbm>>
      tpu.wait_dma2 semaphore(%run_scoped3A : memref<!tpu.dma_semaphore, #tpu.memory_space<semaphore_mem>>) src(%arg7 : memref<512x64xf32, #tpu.memory_space<vmem>>) dst(%dma_wait3A_320 : memref<512x64xf32, #tpu.memory_space<hbm>>)
      tpu.yield
    }) : () -> ()
    %dma_start3A_150 = arith.constant 6656 : i32
    %dma_start3A_151 = tpu.memref_slice %arg5[%dma_start3A_150] : memref<13312xi32, #tpu.memory_space<vmem>> -> memref<512xi32, #tpu.memory_space<vmem>>
    %dma_start3A_152 = arith.constant 0 : i32
    %dma_start3A_153 = arith.constant 0 : i32
    %dma_start3A_154 = tpu.memref_slice %arg3[%dma_start3A_152, %dma_start3A_153] : memref<2000000x64xf32, #tpu.memory_space<hbm>> -> memref<2000000x64xf32, #tpu.memory_space<hbm>>
    tpu.enqueue_indirect_dma source(%dma_start3A_154 : memref<2000000x64xf32, #tpu.memory_space<hbm>>) target(%arg7 : memref<512x64xf32, #tpu.memory_space<vmem>>) offsets(%dma_start3A_151 : memref<512xi32, #tpu.memory_space<vmem>>) semaphore(%arg9 : memref<!tpu.dma_semaphore, #tpu.memory_space<semaphore_mem>>)
    %dma_wait3A_155 = arith.constant 6144 : i32
    %dma_wait3A_156 = tpu.memref_slice %arg5[%dma_wait3A_155] : memref<13312xi32, #tpu.memory_space<vmem>> -> memref<512xi32, #tpu.memory_space<vmem>>
    %dma_wait3A_157 = arith.constant 0 : i32
    %dma_wait3A_158 = arith.constant 0 : i32
    %dma_wait3A_159 = tpu.memref_slice %arg3[%dma_wait3A_157, %dma_wait3A_158] : memref<2000000x64xf32, #tpu.memory_space<hbm>> -> memref<2000000x64xf32, #tpu.memory_space<hbm>>
    tpu.wait_indirect_dma semaphore(%arg8 : memref<!tpu.dma_semaphore, #tpu.memory_space<semaphore_mem>>) src(%dma_wait3A_159 : memref<2000000x64xf32, #tpu.memory_space<hbm>>) dst(%arg6 : memref<512x64xf32, #tpu.memory_space<vmem>>)
    %add3A_160 = arith.constant 6144 : i32
    %add3A_161 = arith.addi %mul3A_2, %add3A_160 : i32
    "tpu.region"() ({
      %run_scoped3A = tpu.sem_alloc : memref<!tpu.dma_semaphore, #tpu.memory_space<semaphore_mem>>
      %dma_start3A_313 = arith.constant 0 : i32
      %dma_start3A_314 = tpu.memref_slice %arg4[%add3A_161, %dma_start3A_313] : memref<425984x64xf32, #tpu.memory_space<hbm>> -> memref<512x64xf32, #tpu.memory_space<hbm>>
      %dma_start3A_315 = arith.constant 0 : i32
      %dma_start3A_316 = tpu.memref_slice %arg4[%add3A_161, %dma_start3A_315] : memref<425984x64xf32, #tpu.memory_space<hbm>> -> memref<512x64xf32, #tpu.memory_space<hbm>>
      tpu.enqueue_dma source(%arg6 : memref<512x64xf32, #tpu.memory_space<vmem>>) target(%dma_start3A_316 : memref<512x64xf32, #tpu.memory_space<hbm>>) target_semaphore(%run_scoped3A : memref<!tpu.dma_semaphore, #tpu.memory_space<semaphore_mem>>)
      %dma_wait3A_317 = arith.constant 0 : i32
      %dma_wait3A_318 = tpu.memref_slice %arg4[%add3A_161, %dma_wait3A_317] : memref<425984x64xf32, #tpu.memory_space<hbm>> -> memref<512x64xf32, #tpu.memory_space<hbm>>
      %dma_wait3A_319 = arith.constant 0 : i32
      %dma_wait3A_320 = tpu.memref_slice %arg4[%add3A_161, %dma_wait3A_319] : memref<425984x64xf32, #tpu.memory_space<hbm>> -> memref<512x64xf32, #tpu.memory_space<hbm>>
      tpu.wait_dma2 semaphore(%run_scoped3A : memref<!tpu.dma_semaphore, #tpu.memory_space<semaphore_mem>>) src(%arg6 : memref<512x64xf32, #tpu.memory_space<vmem>>) dst(%dma_wait3A_320 : memref<512x64xf32, #tpu.memory_space<hbm>>)
      tpu.yield
    }) : () -> ()
    %dma_start3A_162 = arith.constant 7168 : i32
    %dma_start3A_163 = tpu.memref_slice %arg5[%dma_start3A_162] : memref<13312xi32, #tpu.memory_space<vmem>> -> memref<512xi32, #tpu.memory_space<vmem>>
    %dma_start3A_164 = arith.constant 0 : i32
    %dma_start3A_165 = arith.constant 0 : i32
    %dma_start3A_166 = tpu.memref_slice %arg3[%dma_start3A_164, %dma_start3A_165] : memref<2000000x64xf32, #tpu.memory_space<hbm>> -> memref<2000000x64xf32, #tpu.memory_space<hbm>>
    tpu.enqueue_indirect_dma source(%dma_start3A_166 : memref<2000000x64xf32, #tpu.memory_space<hbm>>) target(%arg6 : memref<512x64xf32, #tpu.memory_space<vmem>>) offsets(%dma_start3A_163 : memref<512xi32, #tpu.memory_space<vmem>>) semaphore(%arg8 : memref<!tpu.dma_semaphore, #tpu.memory_space<semaphore_mem>>)
    %dma_wait3A_167 = arith.constant 6656 : i32
    %dma_wait3A_168 = tpu.memref_slice %arg5[%dma_wait3A_167] : memref<13312xi32, #tpu.memory_space<vmem>> -> memref<512xi32, #tpu.memory_space<vmem>>
    %dma_wait3A_169 = arith.constant 0 : i32
    %dma_wait3A_170 = arith.constant 0 : i32
    %dma_wait3A_171 = tpu.memref_slice %arg3[%dma_wait3A_169, %dma_wait3A_170] : memref<2000000x64xf32, #tpu.memory_space<hbm>> -> memref<2000000x64xf32, #tpu.memory_space<hbm>>
    tpu.wait_indirect_dma semaphore(%arg9 : memref<!tpu.dma_semaphore, #tpu.memory_space<semaphore_mem>>) src(%dma_wait3A_171 : memref<2000000x64xf32, #tpu.memory_space<hbm>>) dst(%arg7 : memref<512x64xf32, #tpu.memory_space<vmem>>)
    %add3A_172 = arith.constant 6656 : i32
    %add3A_173 = arith.addi %mul3A_2, %add3A_172 : i32
    "tpu.region"() ({
      %run_scoped3A = tpu.sem_alloc : memref<!tpu.dma_semaphore, #tpu.memory_space<semaphore_mem>>
      %dma_start3A_313 = arith.constant 0 : i32
      %dma_start3A_314 = tpu.memref_slice %arg4[%add3A_173, %dma_start3A_313] : memref<425984x64xf32, #tpu.memory_space<hbm>> -> memref<512x64xf32, #tpu.memory_space<hbm>>
      %dma_start3A_315 = arith.constant 0 : i32
      %dma_start3A_316 = tpu.memref_slice %arg4[%add3A_173, %dma_start3A_315] : memref<425984x64xf32, #tpu.memory_space<hbm>> -> memref<512x64xf32, #tpu.memory_space<hbm>>
      tpu.enqueue_dma source(%arg7 : memref<512x64xf32, #tpu.memory_space<vmem>>) target(%dma_start3A_316 : memref<512x64xf32, #tpu.memory_space<hbm>>) target_semaphore(%run_scoped3A : memref<!tpu.dma_semaphore, #tpu.memory_space<semaphore_mem>>)
      %dma_wait3A_317 = arith.constant 0 : i32
      %dma_wait3A_318 = tpu.memref_slice %arg4[%add3A_173, %dma_wait3A_317] : memref<425984x64xf32, #tpu.memory_space<hbm>> -> memref<512x64xf32, #tpu.memory_space<hbm>>
      %dma_wait3A_319 = arith.constant 0 : i32
      %dma_wait3A_320 = tpu.memref_slice %arg4[%add3A_173, %dma_wait3A_319] : memref<425984x64xf32, #tpu.memory_space<hbm>> -> memref<512x64xf32, #tpu.memory_space<hbm>>
      tpu.wait_dma2 semaphore(%run_scoped3A : memref<!tpu.dma_semaphore, #tpu.memory_space<semaphore_mem>>) src(%arg7 : memref<512x64xf32, #tpu.memory_space<vmem>>) dst(%dma_wait3A_320 : memref<512x64xf32, #tpu.memory_space<hbm>>)
      tpu.yield
    }) : () -> ()
    %dma_start3A_174 = arith.constant 7680 : i32
    %dma_start3A_175 = tpu.memref_slice %arg5[%dma_start3A_174] : memref<13312xi32, #tpu.memory_space<vmem>> -> memref<512xi32, #tpu.memory_space<vmem>>
    %dma_start3A_176 = arith.constant 0 : i32
    %dma_start3A_177 = arith.constant 0 : i32
    %dma_start3A_178 = tpu.memref_slice %arg3[%dma_start3A_176, %dma_start3A_177] : memref<2000000x64xf32, #tpu.memory_space<hbm>> -> memref<2000000x64xf32, #tpu.memory_space<hbm>>
    tpu.enqueue_indirect_dma source(%dma_start3A_178 : memref<2000000x64xf32, #tpu.memory_space<hbm>>) target(%arg7 : memref<512x64xf32, #tpu.memory_space<vmem>>) offsets(%dma_start3A_175 : memref<512xi32, #tpu.memory_space<vmem>>) semaphore(%arg9 : memref<!tpu.dma_semaphore, #tpu.memory_space<semaphore_mem>>)
    %dma_wait3A_179 = arith.constant 7168 : i32
    %dma_wait3A_180 = tpu.memref_slice %arg5[%dma_wait3A_179] : memref<13312xi32, #tpu.memory_space<vmem>> -> memref<512xi32, #tpu.memory_space<vmem>>
    %dma_wait3A_181 = arith.constant 0 : i32
    %dma_wait3A_182 = arith.constant 0 : i32
    %dma_wait3A_183 = tpu.memref_slice %arg3[%dma_wait3A_181, %dma_wait3A_182] : memref<2000000x64xf32, #tpu.memory_space<hbm>> -> memref<2000000x64xf32, #tpu.memory_space<hbm>>
    tpu.wait_indirect_dma semaphore(%arg8 : memref<!tpu.dma_semaphore, #tpu.memory_space<semaphore_mem>>) src(%dma_wait3A_183 : memref<2000000x64xf32, #tpu.memory_space<hbm>>) dst(%arg6 : memref<512x64xf32, #tpu.memory_space<vmem>>)
    %add3A_184 = arith.constant 7168 : i32
    %add3A_185 = arith.addi %mul3A_2, %add3A_184 : i32
    "tpu.region"() ({
      %run_scoped3A = tpu.sem_alloc : memref<!tpu.dma_semaphore, #tpu.memory_space<semaphore_mem>>
      %dma_start3A_313 = arith.constant 0 : i32
      %dma_start3A_314 = tpu.memref_slice %arg4[%add3A_185, %dma_start3A_313] : memref<425984x64xf32, #tpu.memory_space<hbm>> -> memref<512x64xf32, #tpu.memory_space<hbm>>
      %dma_start3A_315 = arith.constant 0 : i32
      %dma_start3A_316 = tpu.memref_slice %arg4[%add3A_185, %dma_start3A_315] : memref<425984x64xf32, #tpu.memory_space<hbm>> -> memref<512x64xf32, #tpu.memory_space<hbm>>
      tpu.enqueue_dma source(%arg6 : memref<512x64xf32, #tpu.memory_space<vmem>>) target(%dma_start3A_316 : memref<512x64xf32, #tpu.memory_space<hbm>>) target_semaphore(%run_scoped3A : memref<!tpu.dma_semaphore, #tpu.memory_space<semaphore_mem>>)
      %dma_wait3A_317 = arith.constant 0 : i32
      %dma_wait3A_318 = tpu.memref_slice %arg4[%add3A_185, %dma_wait3A_317] : memref<425984x64xf32, #tpu.memory_space<hbm>> -> memref<512x64xf32, #tpu.memory_space<hbm>>
      %dma_wait3A_319 = arith.constant 0 : i32
      %dma_wait3A_320 = tpu.memref_slice %arg4[%add3A_185, %dma_wait3A_319] : memref<425984x64xf32, #tpu.memory_space<hbm>> -> memref<512x64xf32, #tpu.memory_space<hbm>>
      tpu.wait_dma2 semaphore(%run_scoped3A : memref<!tpu.dma_semaphore, #tpu.memory_space<semaphore_mem>>) src(%arg6 : memref<512x64xf32, #tpu.memory_space<vmem>>) dst(%dma_wait3A_320 : memref<512x64xf32, #tpu.memory_space<hbm>>)
      tpu.yield
    }) : () -> ()
    %dma_start3A_186 = arith.constant 8192 : i32
    %dma_start3A_187 = tpu.memref_slice %arg5[%dma_start3A_186] : memref<13312xi32, #tpu.memory_space<vmem>> -> memref<512xi32, #tpu.memory_space<vmem>>
    %dma_start3A_188 = arith.constant 0 : i32
    %dma_start3A_189 = arith.constant 0 : i32
    %dma_start3A_190 = tpu.memref_slice %arg3[%dma_start3A_188, %dma_start3A_189] : memref<2000000x64xf32, #tpu.memory_space<hbm>> -> memref<2000000x64xf32, #tpu.memory_space<hbm>>
    tpu.enqueue_indirect_dma source(%dma_start3A_190 : memref<2000000x64xf32, #tpu.memory_space<hbm>>) target(%arg6 : memref<512x64xf32, #tpu.memory_space<vmem>>) offsets(%dma_start3A_187 : memref<512xi32, #tpu.memory_space<vmem>>) semaphore(%arg8 : memref<!tpu.dma_semaphore, #tpu.memory_space<semaphore_mem>>)
    %dma_wait3A_191 = arith.constant 7680 : i32
    %dma_wait3A_192 = tpu.memref_slice %arg5[%dma_wait3A_191] : memref<13312xi32, #tpu.memory_space<vmem>> -> memref<512xi32, #tpu.memory_space<vmem>>
    %dma_wait3A_193 = arith.constant 0 : i32
    %dma_wait3A_194 = arith.constant 0 : i32
    %dma_wait3A_195 = tpu.memref_slice %arg3[%dma_wait3A_193, %dma_wait3A_194] : memref<2000000x64xf32, #tpu.memory_space<hbm>> -> memref<2000000x64xf32, #tpu.memory_space<hbm>>
    tpu.wait_indirect_dma semaphore(%arg9 : memref<!tpu.dma_semaphore, #tpu.memory_space<semaphore_mem>>) src(%dma_wait3A_195 : memref<2000000x64xf32, #tpu.memory_space<hbm>>) dst(%arg7 : memref<512x64xf32, #tpu.memory_space<vmem>>)
    %add3A_196 = arith.constant 7680 : i32
    %add3A_197 = arith.addi %mul3A_2, %add3A_196 : i32
    "tpu.region"() ({
      %run_scoped3A = tpu.sem_alloc : memref<!tpu.dma_semaphore, #tpu.memory_space<semaphore_mem>>
      %dma_start3A_313 = arith.constant 0 : i32
      %dma_start3A_314 = tpu.memref_slice %arg4[%add3A_197, %dma_start3A_313] : memref<425984x64xf32, #tpu.memory_space<hbm>> -> memref<512x64xf32, #tpu.memory_space<hbm>>
      %dma_start3A_315 = arith.constant 0 : i32
      %dma_start3A_316 = tpu.memref_slice %arg4[%add3A_197, %dma_start3A_315] : memref<425984x64xf32, #tpu.memory_space<hbm>> -> memref<512x64xf32, #tpu.memory_space<hbm>>
      tpu.enqueue_dma source(%arg7 : memref<512x64xf32, #tpu.memory_space<vmem>>) target(%dma_start3A_316 : memref<512x64xf32, #tpu.memory_space<hbm>>) target_semaphore(%run_scoped3A : memref<!tpu.dma_semaphore, #tpu.memory_space<semaphore_mem>>)
      %dma_wait3A_317 = arith.constant 0 : i32
      %dma_wait3A_318 = tpu.memref_slice %arg4[%add3A_197, %dma_wait3A_317] : memref<425984x64xf32, #tpu.memory_space<hbm>> -> memref<512x64xf32, #tpu.memory_space<hbm>>
      %dma_wait3A_319 = arith.constant 0 : i32
      %dma_wait3A_320 = tpu.memref_slice %arg4[%add3A_197, %dma_wait3A_319] : memref<425984x64xf32, #tpu.memory_space<hbm>> -> memref<512x64xf32, #tpu.memory_space<hbm>>
      tpu.wait_dma2 semaphore(%run_scoped3A : memref<!tpu.dma_semaphore, #tpu.memory_space<semaphore_mem>>) src(%arg7 : memref<512x64xf32, #tpu.memory_space<vmem>>) dst(%dma_wait3A_320 : memref<512x64xf32, #tpu.memory_space<hbm>>)
      tpu.yield
    }) : () -> ()
    %dma_start3A_198 = arith.constant 8704 : i32
    %dma_start3A_199 = tpu.memref_slice %arg5[%dma_start3A_198] : memref<13312xi32, #tpu.memory_space<vmem>> -> memref<512xi32, #tpu.memory_space<vmem>>
    %dma_start3A_200 = arith.constant 0 : i32
    %dma_start3A_201 = arith.constant 0 : i32
    %dma_start3A_202 = tpu.memref_slice %arg3[%dma_start3A_200, %dma_start3A_201] : memref<2000000x64xf32, #tpu.memory_space<hbm>> -> memref<2000000x64xf32, #tpu.memory_space<hbm>>
    tpu.enqueue_indirect_dma source(%dma_start3A_202 : memref<2000000x64xf32, #tpu.memory_space<hbm>>) target(%arg7 : memref<512x64xf32, #tpu.memory_space<vmem>>) offsets(%dma_start3A_199 : memref<512xi32, #tpu.memory_space<vmem>>) semaphore(%arg9 : memref<!tpu.dma_semaphore, #tpu.memory_space<semaphore_mem>>)
    %dma_wait3A_203 = arith.constant 8192 : i32
    %dma_wait3A_204 = tpu.memref_slice %arg5[%dma_wait3A_203] : memref<13312xi32, #tpu.memory_space<vmem>> -> memref<512xi32, #tpu.memory_space<vmem>>
    %dma_wait3A_205 = arith.constant 0 : i32
    %dma_wait3A_206 = arith.constant 0 : i32
    %dma_wait3A_207 = tpu.memref_slice %arg3[%dma_wait3A_205, %dma_wait3A_206] : memref<2000000x64xf32, #tpu.memory_space<hbm>> -> memref<2000000x64xf32, #tpu.memory_space<hbm>>
    tpu.wait_indirect_dma semaphore(%arg8 : memref<!tpu.dma_semaphore, #tpu.memory_space<semaphore_mem>>) src(%dma_wait3A_207 : memref<2000000x64xf32, #tpu.memory_space<hbm>>) dst(%arg6 : memref<512x64xf32, #tpu.memory_space<vmem>>)
    %add3A_208 = arith.constant 8192 : i32
    %add3A_209 = arith.addi %mul3A_2, %add3A_208 : i32
    "tpu.region"() ({
      %run_scoped3A = tpu.sem_alloc : memref<!tpu.dma_semaphore, #tpu.memory_space<semaphore_mem>>
      %dma_start3A_313 = arith.constant 0 : i32
      %dma_start3A_314 = tpu.memref_slice %arg4[%add3A_209, %dma_start3A_313] : memref<425984x64xf32, #tpu.memory_space<hbm>> -> memref<512x64xf32, #tpu.memory_space<hbm>>
      %dma_start3A_315 = arith.constant 0 : i32
      %dma_start3A_316 = tpu.memref_slice %arg4[%add3A_209, %dma_start3A_315] : memref<425984x64xf32, #tpu.memory_space<hbm>> -> memref<512x64xf32, #tpu.memory_space<hbm>>
      tpu.enqueue_dma source(%arg6 : memref<512x64xf32, #tpu.memory_space<vmem>>) target(%dma_start3A_316 : memref<512x64xf32, #tpu.memory_space<hbm>>) target_semaphore(%run_scoped3A : memref<!tpu.dma_semaphore, #tpu.memory_space<semaphore_mem>>)
      %dma_wait3A_317 = arith.constant 0 : i32
      %dma_wait3A_318 = tpu.memref_slice %arg4[%add3A_209, %dma_wait3A_317] : memref<425984x64xf32, #tpu.memory_space<hbm>> -> memref<512x64xf32, #tpu.memory_space<hbm>>
      %dma_wait3A_319 = arith.constant 0 : i32
      %dma_wait3A_320 = tpu.memref_slice %arg4[%add3A_209, %dma_wait3A_319] : memref<425984x64xf32, #tpu.memory_space<hbm>> -> memref<512x64xf32, #tpu.memory_space<hbm>>
      tpu.wait_dma2 semaphore(%run_scoped3A : memref<!tpu.dma_semaphore, #tpu.memory_space<semaphore_mem>>) src(%arg6 : memref<512x64xf32, #tpu.memory_space<vmem>>) dst(%dma_wait3A_320 : memref<512x64xf32, #tpu.memory_space<hbm>>)
      tpu.yield
    }) : () -> ()
    %dma_start3A_210 = arith.constant 9216 : i32
    %dma_start3A_211 = tpu.memref_slice %arg5[%dma_start3A_210] : memref<13312xi32, #tpu.memory_space<vmem>> -> memref<512xi32, #tpu.memory_space<vmem>>
    %dma_start3A_212 = arith.constant 0 : i32
    %dma_start3A_213 = arith.constant 0 : i32
    %dma_start3A_214 = tpu.memref_slice %arg3[%dma_start3A_212, %dma_start3A_213] : memref<2000000x64xf32, #tpu.memory_space<hbm>> -> memref<2000000x64xf32, #tpu.memory_space<hbm>>
    tpu.enqueue_indirect_dma source(%dma_start3A_214 : memref<2000000x64xf32, #tpu.memory_space<hbm>>) target(%arg6 : memref<512x64xf32, #tpu.memory_space<vmem>>) offsets(%dma_start3A_211 : memref<512xi32, #tpu.memory_space<vmem>>) semaphore(%arg8 : memref<!tpu.dma_semaphore, #tpu.memory_space<semaphore_mem>>)
    %dma_wait3A_215 = arith.constant 8704 : i32
    %dma_wait3A_216 = tpu.memref_slice %arg5[%dma_wait3A_215] : memref<13312xi32, #tpu.memory_space<vmem>> -> memref<512xi32, #tpu.memory_space<vmem>>
    %dma_wait3A_217 = arith.constant 0 : i32
    %dma_wait3A_218 = arith.constant 0 : i32
    %dma_wait3A_219 = tpu.memref_slice %arg3[%dma_wait3A_217, %dma_wait3A_218] : memref<2000000x64xf32, #tpu.memory_space<hbm>> -> memref<2000000x64xf32, #tpu.memory_space<hbm>>
    tpu.wait_indirect_dma semaphore(%arg9 : memref<!tpu.dma_semaphore, #tpu.memory_space<semaphore_mem>>) src(%dma_wait3A_219 : memref<2000000x64xf32, #tpu.memory_space<hbm>>) dst(%arg7 : memref<512x64xf32, #tpu.memory_space<vmem>>)
    %add3A_220 = arith.constant 8704 : i32
    %add3A_221 = arith.addi %mul3A_2, %add3A_220 : i32
    "tpu.region"() ({
      %run_scoped3A = tpu.sem_alloc : memref<!tpu.dma_semaphore, #tpu.memory_space<semaphore_mem>>
      %dma_start3A_313 = arith.constant 0 : i32
      %dma_start3A_314 = tpu.memref_slice %arg4[%add3A_221, %dma_start3A_313] : memref<425984x64xf32, #tpu.memory_space<hbm>> -> memref<512x64xf32, #tpu.memory_space<hbm>>
      %dma_start3A_315 = arith.constant 0 : i32
      %dma_start3A_316 = tpu.memref_slice %arg4[%add3A_221, %dma_start3A_315] : memref<425984x64xf32, #tpu.memory_space<hbm>> -> memref<512x64xf32, #tpu.memory_space<hbm>>
      tpu.enqueue_dma source(%arg7 : memref<512x64xf32, #tpu.memory_space<vmem>>) target(%dma_start3A_316 : memref<512x64xf32, #tpu.memory_space<hbm>>) target_semaphore(%run_scoped3A : memref<!tpu.dma_semaphore, #tpu.memory_space<semaphore_mem>>)
      %dma_wait3A_317 = arith.constant 0 : i32
      %dma_wait3A_318 = tpu.memref_slice %arg4[%add3A_221, %dma_wait3A_317] : memref<425984x64xf32, #tpu.memory_space<hbm>> -> memref<512x64xf32, #tpu.memory_space<hbm>>
      %dma_wait3A_319 = arith.constant 0 : i32
      %dma_wait3A_320 = tpu.memref_slice %arg4[%add3A_221, %dma_wait3A_319] : memref<425984x64xf32, #tpu.memory_space<hbm>> -> memref<512x64xf32, #tpu.memory_space<hbm>>
      tpu.wait_dma2 semaphore(%run_scoped3A : memref<!tpu.dma_semaphore, #tpu.memory_space<semaphore_mem>>) src(%arg7 : memref<512x64xf32, #tpu.memory_space<vmem>>) dst(%dma_wait3A_320 : memref<512x64xf32, #tpu.memory_space<hbm>>)
      tpu.yield
    }) : () -> ()
    %dma_start3A_222 = arith.constant 9728 : i32
    %dma_start3A_223 = tpu.memref_slice %arg5[%dma_start3A_222] : memref<13312xi32, #tpu.memory_space<vmem>> -> memref<512xi32, #tpu.memory_space<vmem>>
    %dma_start3A_224 = arith.constant 0 : i32
    %dma_start3A_225 = arith.constant 0 : i32
    %dma_start3A_226 = tpu.memref_slice %arg3[%dma_start3A_224, %dma_start3A_225] : memref<2000000x64xf32, #tpu.memory_space<hbm>> -> memref<2000000x64xf32, #tpu.memory_space<hbm>>
    tpu.enqueue_indirect_dma source(%dma_start3A_226 : memref<2000000x64xf32, #tpu.memory_space<hbm>>) target(%arg7 : memref<512x64xf32, #tpu.memory_space<vmem>>) offsets(%dma_start3A_223 : memref<512xi32, #tpu.memory_space<vmem>>) semaphore(%arg9 : memref<!tpu.dma_semaphore, #tpu.memory_space<semaphore_mem>>)
    %dma_wait3A_227 = arith.constant 9216 : i32
    %dma_wait3A_228 = tpu.memref_slice %arg5[%dma_wait3A_227] : memref<13312xi32, #tpu.memory_space<vmem>> -> memref<512xi32, #tpu.memory_space<vmem>>
    %dma_wait3A_229 = arith.constant 0 : i32
    %dma_wait3A_230 = arith.constant 0 : i32
    %dma_wait3A_231 = tpu.memref_slice %arg3[%dma_wait3A_229, %dma_wait3A_230] : memref<2000000x64xf32, #tpu.memory_space<hbm>> -> memref<2000000x64xf32, #tpu.memory_space<hbm>>
    tpu.wait_indirect_dma semaphore(%arg8 : memref<!tpu.dma_semaphore, #tpu.memory_space<semaphore_mem>>) src(%dma_wait3A_231 : memref<2000000x64xf32, #tpu.memory_space<hbm>>) dst(%arg6 : memref<512x64xf32, #tpu.memory_space<vmem>>)
    %add3A_232 = arith.constant 9216 : i32
    %add3A_233 = arith.addi %mul3A_2, %add3A_232 : i32
    "tpu.region"() ({
      %run_scoped3A = tpu.sem_alloc : memref<!tpu.dma_semaphore, #tpu.memory_space<semaphore_mem>>
      %dma_start3A_313 = arith.constant 0 : i32
      %dma_start3A_314 = tpu.memref_slice %arg4[%add3A_233, %dma_start3A_313] : memref<425984x64xf32, #tpu.memory_space<hbm>> -> memref<512x64xf32, #tpu.memory_space<hbm>>
      %dma_start3A_315 = arith.constant 0 : i32
      %dma_start3A_316 = tpu.memref_slice %arg4[%add3A_233, %dma_start3A_315] : memref<425984x64xf32, #tpu.memory_space<hbm>> -> memref<512x64xf32, #tpu.memory_space<hbm>>
      tpu.enqueue_dma source(%arg6 : memref<512x64xf32, #tpu.memory_space<vmem>>) target(%dma_start3A_316 : memref<512x64xf32, #tpu.memory_space<hbm>>) target_semaphore(%run_scoped3A : memref<!tpu.dma_semaphore, #tpu.memory_space<semaphore_mem>>)
      %dma_wait3A_317 = arith.constant 0 : i32
      %dma_wait3A_318 = tpu.memref_slice %arg4[%add3A_233, %dma_wait3A_317] : memref<425984x64xf32, #tpu.memory_space<hbm>> -> memref<512x64xf32, #tpu.memory_space<hbm>>
      %dma_wait3A_319 = arith.constant 0 : i32
      %dma_wait3A_320 = tpu.memref_slice %arg4[%add3A_233, %dma_wait3A_319] : memref<425984x64xf32, #tpu.memory_space<hbm>> -> memref<512x64xf32, #tpu.memory_space<hbm>>
      tpu.wait_dma2 semaphore(%run_scoped3A : memref<!tpu.dma_semaphore, #tpu.memory_space<semaphore_mem>>) src(%arg6 : memref<512x64xf32, #tpu.memory_space<vmem>>) dst(%dma_wait3A_320 : memref<512x64xf32, #tpu.memory_space<hbm>>)
      tpu.yield
    }) : () -> ()
    %dma_start3A_234 = arith.constant 10240 : i32
    %dma_start3A_235 = tpu.memref_slice %arg5[%dma_start3A_234] : memref<13312xi32, #tpu.memory_space<vmem>> -> memref<512xi32, #tpu.memory_space<vmem>>
    %dma_start3A_236 = arith.constant 0 : i32
    %dma_start3A_237 = arith.constant 0 : i32
    %dma_start3A_238 = tpu.memref_slice %arg3[%dma_start3A_236, %dma_start3A_237] : memref<2000000x64xf32, #tpu.memory_space<hbm>> -> memref<2000000x64xf32, #tpu.memory_space<hbm>>
    tpu.enqueue_indirect_dma source(%dma_start3A_238 : memref<2000000x64xf32, #tpu.memory_space<hbm>>) target(%arg6 : memref<512x64xf32, #tpu.memory_space<vmem>>) offsets(%dma_start3A_235 : memref<512xi32, #tpu.memory_space<vmem>>) semaphore(%arg8 : memref<!tpu.dma_semaphore, #tpu.memory_space<semaphore_mem>>)
    %dma_wait3A_239 = arith.constant 9728 : i32
    %dma_wait3A_240 = tpu.memref_slice %arg5[%dma_wait3A_239] : memref<13312xi32, #tpu.memory_space<vmem>> -> memref<512xi32, #tpu.memory_space<vmem>>
    %dma_wait3A_241 = arith.constant 0 : i32
    %dma_wait3A_242 = arith.constant 0 : i32
    %dma_wait3A_243 = tpu.memref_slice %arg3[%dma_wait3A_241, %dma_wait3A_242] : memref<2000000x64xf32, #tpu.memory_space<hbm>> -> memref<2000000x64xf32, #tpu.memory_space<hbm>>
    tpu.wait_indirect_dma semaphore(%arg9 : memref<!tpu.dma_semaphore, #tpu.memory_space<semaphore_mem>>) src(%dma_wait3A_243 : memref<2000000x64xf32, #tpu.memory_space<hbm>>) dst(%arg7 : memref<512x64xf32, #tpu.memory_space<vmem>>)
    %add3A_244 = arith.constant 9728 : i32
    %add3A_245 = arith.addi %mul3A_2, %add3A_244 : i32
    "tpu.region"() ({
      %run_scoped3A = tpu.sem_alloc : memref<!tpu.dma_semaphore, #tpu.memory_space<semaphore_mem>>
      %dma_start3A_313 = arith.constant 0 : i32
      %dma_start3A_314 = tpu.memref_slice %arg4[%add3A_245, %dma_start3A_313] : memref<425984x64xf32, #tpu.memory_space<hbm>> -> memref<512x64xf32, #tpu.memory_space<hbm>>
      %dma_start3A_315 = arith.constant 0 : i32
      %dma_start3A_316 = tpu.memref_slice %arg4[%add3A_245, %dma_start3A_315] : memref<425984x64xf32, #tpu.memory_space<hbm>> -> memref<512x64xf32, #tpu.memory_space<hbm>>
      tpu.enqueue_dma source(%arg7 : memref<512x64xf32, #tpu.memory_space<vmem>>) target(%dma_start3A_316 : memref<512x64xf32, #tpu.memory_space<hbm>>) target_semaphore(%run_scoped3A : memref<!tpu.dma_semaphore, #tpu.memory_space<semaphore_mem>>)
      %dma_wait3A_317 = arith.constant 0 : i32
      %dma_wait3A_318 = tpu.memref_slice %arg4[%add3A_245, %dma_wait3A_317] : memref<425984x64xf32, #tpu.memory_space<hbm>> -> memref<512x64xf32, #tpu.memory_space<hbm>>
      %dma_wait3A_319 = arith.constant 0 : i32
      %dma_wait3A_320 = tpu.memref_slice %arg4[%add3A_245, %dma_wait3A_319] : memref<425984x64xf32, #tpu.memory_space<hbm>> -> memref<512x64xf32, #tpu.memory_space<hbm>>
      tpu.wait_dma2 semaphore(%run_scoped3A : memref<!tpu.dma_semaphore, #tpu.memory_space<semaphore_mem>>) src(%arg7 : memref<512x64xf32, #tpu.memory_space<vmem>>) dst(%dma_wait3A_320 : memref<512x64xf32, #tpu.memory_space<hbm>>)
      tpu.yield
    }) : () -> ()
    %dma_start3A_246 = arith.constant 10752 : i32
    %dma_start3A_247 = tpu.memref_slice %arg5[%dma_start3A_246] : memref<13312xi32, #tpu.memory_space<vmem>> -> memref<512xi32, #tpu.memory_space<vmem>>
    %dma_start3A_248 = arith.constant 0 : i32
    %dma_start3A_249 = arith.constant 0 : i32
    %dma_start3A_250 = tpu.memref_slice %arg3[%dma_start3A_248, %dma_start3A_249] : memref<2000000x64xf32, #tpu.memory_space<hbm>> -> memref<2000000x64xf32, #tpu.memory_space<hbm>>
    tpu.enqueue_indirect_dma source(%dma_start3A_250 : memref<2000000x64xf32, #tpu.memory_space<hbm>>) target(%arg7 : memref<512x64xf32, #tpu.memory_space<vmem>>) offsets(%dma_start3A_247 : memref<512xi32, #tpu.memory_space<vmem>>) semaphore(%arg9 : memref<!tpu.dma_semaphore, #tpu.memory_space<semaphore_mem>>)
    %dma_wait3A_251 = arith.constant 10240 : i32
    %dma_wait3A_252 = tpu.memref_slice %arg5[%dma_wait3A_251] : memref<13312xi32, #tpu.memory_space<vmem>> -> memref<512xi32, #tpu.memory_space<vmem>>
    %dma_wait3A_253 = arith.constant 0 : i32
    %dma_wait3A_254 = arith.constant 0 : i32
    %dma_wait3A_255 = tpu.memref_slice %arg3[%dma_wait3A_253, %dma_wait3A_254] : memref<2000000x64xf32, #tpu.memory_space<hbm>> -> memref<2000000x64xf32, #tpu.memory_space<hbm>>
    tpu.wait_indirect_dma semaphore(%arg8 : memref<!tpu.dma_semaphore, #tpu.memory_space<semaphore_mem>>) src(%dma_wait3A_255 : memref<2000000x64xf32, #tpu.memory_space<hbm>>) dst(%arg6 : memref<512x64xf32, #tpu.memory_space<vmem>>)
    %add3A_256 = arith.constant 10240 : i32
    %add3A_257 = arith.addi %mul3A_2, %add3A_256 : i32
    "tpu.region"() ({
      %run_scoped3A = tpu.sem_alloc : memref<!tpu.dma_semaphore, #tpu.memory_space<semaphore_mem>>
      %dma_start3A_313 = arith.constant 0 : i32
      %dma_start3A_314 = tpu.memref_slice %arg4[%add3A_257, %dma_start3A_313] : memref<425984x64xf32, #tpu.memory_space<hbm>> -> memref<512x64xf32, #tpu.memory_space<hbm>>
      %dma_start3A_315 = arith.constant 0 : i32
      %dma_start3A_316 = tpu.memref_slice %arg4[%add3A_257, %dma_start3A_315] : memref<425984x64xf32, #tpu.memory_space<hbm>> -> memref<512x64xf32, #tpu.memory_space<hbm>>
      tpu.enqueue_dma source(%arg6 : memref<512x64xf32, #tpu.memory_space<vmem>>) target(%dma_start3A_316 : memref<512x64xf32, #tpu.memory_space<hbm>>) target_semaphore(%run_scoped3A : memref<!tpu.dma_semaphore, #tpu.memory_space<semaphore_mem>>)
      %dma_wait3A_317 = arith.constant 0 : i32
      %dma_wait3A_318 = tpu.memref_slice %arg4[%add3A_257, %dma_wait3A_317] : memref<425984x64xf32, #tpu.memory_space<hbm>> -> memref<512x64xf32, #tpu.memory_space<hbm>>
      %dma_wait3A_319 = arith.constant 0 : i32
      %dma_wait3A_320 = tpu.memref_slice %arg4[%add3A_257, %dma_wait3A_319] : memref<425984x64xf32, #tpu.memory_space<hbm>> -> memref<512x64xf32, #tpu.memory_space<hbm>>
      tpu.wait_dma2 semaphore(%run_scoped3A : memref<!tpu.dma_semaphore, #tpu.memory_space<semaphore_mem>>) src(%arg6 : memref<512x64xf32, #tpu.memory_space<vmem>>) dst(%dma_wait3A_320 : memref<512x64xf32, #tpu.memory_space<hbm>>)
      tpu.yield
    }) : () -> ()
    %dma_start3A_258 = arith.constant 11264 : i32
    %dma_start3A_259 = tpu.memref_slice %arg5[%dma_start3A_258] : memref<13312xi32, #tpu.memory_space<vmem>> -> memref<512xi32, #tpu.memory_space<vmem>>
    %dma_start3A_260 = arith.constant 0 : i32
    %dma_start3A_261 = arith.constant 0 : i32
    %dma_start3A_262 = tpu.memref_slice %arg3[%dma_start3A_260, %dma_start3A_261] : memref<2000000x64xf32, #tpu.memory_space<hbm>> -> memref<2000000x64xf32, #tpu.memory_space<hbm>>
    tpu.enqueue_indirect_dma source(%dma_start3A_262 : memref<2000000x64xf32, #tpu.memory_space<hbm>>) target(%arg6 : memref<512x64xf32, #tpu.memory_space<vmem>>) offsets(%dma_start3A_259 : memref<512xi32, #tpu.memory_space<vmem>>) semaphore(%arg8 : memref<!tpu.dma_semaphore, #tpu.memory_space<semaphore_mem>>)
    %dma_wait3A_263 = arith.constant 10752 : i32
    %dma_wait3A_264 = tpu.memref_slice %arg5[%dma_wait3A_263] : memref<13312xi32, #tpu.memory_space<vmem>> -> memref<512xi32, #tpu.memory_space<vmem>>
    %dma_wait3A_265 = arith.constant 0 : i32
    %dma_wait3A_266 = arith.constant 0 : i32
    %dma_wait3A_267 = tpu.memref_slice %arg3[%dma_wait3A_265, %dma_wait3A_266] : memref<2000000x64xf32, #tpu.memory_space<hbm>> -> memref<2000000x64xf32, #tpu.memory_space<hbm>>
    tpu.wait_indirect_dma semaphore(%arg9 : memref<!tpu.dma_semaphore, #tpu.memory_space<semaphore_mem>>) src(%dma_wait3A_267 : memref<2000000x64xf32, #tpu.memory_space<hbm>>) dst(%arg7 : memref<512x64xf32, #tpu.memory_space<vmem>>)
    %add3A_268 = arith.constant 10752 : i32
    %add3A_269 = arith.addi %mul3A_2, %add3A_268 : i32
    "tpu.region"() ({
      %run_scoped3A = tpu.sem_alloc : memref<!tpu.dma_semaphore, #tpu.memory_space<semaphore_mem>>
      %dma_start3A_313 = arith.constant 0 : i32
      %dma_start3A_314 = tpu.memref_slice %arg4[%add3A_269, %dma_start3A_313] : memref<425984x64xf32, #tpu.memory_space<hbm>> -> memref<512x64xf32, #tpu.memory_space<hbm>>
      %dma_start3A_315 = arith.constant 0 : i32
      %dma_start3A_316 = tpu.memref_slice %arg4[%add3A_269, %dma_start3A_315] : memref<425984x64xf32, #tpu.memory_space<hbm>> -> memref<512x64xf32, #tpu.memory_space<hbm>>
      tpu.enqueue_dma source(%arg7 : memref<512x64xf32, #tpu.memory_space<vmem>>) target(%dma_start3A_316 : memref<512x64xf32, #tpu.memory_space<hbm>>) target_semaphore(%run_scoped3A : memref<!tpu.dma_semaphore, #tpu.memory_space<semaphore_mem>>)
      %dma_wait3A_317 = arith.constant 0 : i32
      %dma_wait3A_318 = tpu.memref_slice %arg4[%add3A_269, %dma_wait3A_317] : memref<425984x64xf32, #tpu.memory_space<hbm>> -> memref<512x64xf32, #tpu.memory_space<hbm>>
      %dma_wait3A_319 = arith.constant 0 : i32
      %dma_wait3A_320 = tpu.memref_slice %arg4[%add3A_269, %dma_wait3A_319] : memref<425984x64xf32, #tpu.memory_space<hbm>> -> memref<512x64xf32, #tpu.memory_space<hbm>>
      tpu.wait_dma2 semaphore(%run_scoped3A : memref<!tpu.dma_semaphore, #tpu.memory_space<semaphore_mem>>) src(%arg7 : memref<512x64xf32, #tpu.memory_space<vmem>>) dst(%dma_wait3A_320 : memref<512x64xf32, #tpu.memory_space<hbm>>)
      tpu.yield
    }) : () -> ()
    %dma_start3A_270 = arith.constant 11776 : i32
    %dma_start3A_271 = tpu.memref_slice %arg5[%dma_start3A_270] : memref<13312xi32, #tpu.memory_space<vmem>> -> memref<512xi32, #tpu.memory_space<vmem>>
    %dma_start3A_272 = arith.constant 0 : i32
    %dma_start3A_273 = arith.constant 0 : i32
    %dma_start3A_274 = tpu.memref_slice %arg3[%dma_start3A_272, %dma_start3A_273] : memref<2000000x64xf32, #tpu.memory_space<hbm>> -> memref<2000000x64xf32, #tpu.memory_space<hbm>>
    tpu.enqueue_indirect_dma source(%dma_start3A_274 : memref<2000000x64xf32, #tpu.memory_space<hbm>>) target(%arg7 : memref<512x64xf32, #tpu.memory_space<vmem>>) offsets(%dma_start3A_271 : memref<512xi32, #tpu.memory_space<vmem>>) semaphore(%arg9 : memref<!tpu.dma_semaphore, #tpu.memory_space<semaphore_mem>>)
    %dma_wait3A_275 = arith.constant 11264 : i32
    %dma_wait3A_276 = tpu.memref_slice %arg5[%dma_wait3A_275] : memref<13312xi32, #tpu.memory_space<vmem>> -> memref<512xi32, #tpu.memory_space<vmem>>
    %dma_wait3A_277 = arith.constant 0 : i32
    %dma_wait3A_278 = arith.constant 0 : i32
    %dma_wait3A_279 = tpu.memref_slice %arg3[%dma_wait3A_277, %dma_wait3A_278] : memref<2000000x64xf32, #tpu.memory_space<hbm>> -> memref<2000000x64xf32, #tpu.memory_space<hbm>>
    tpu.wait_indirect_dma semaphore(%arg8 : memref<!tpu.dma_semaphore, #tpu.memory_space<semaphore_mem>>) src(%dma_wait3A_279 : memref<2000000x64xf32, #tpu.memory_space<hbm>>) dst(%arg6 : memref<512x64xf32, #tpu.memory_space<vmem>>)
    %add3A_280 = arith.constant 11264 : i32
    %add3A_281 = arith.addi %mul3A_2, %add3A_280 : i32
    "tpu.region"() ({
      %run_scoped3A = tpu.sem_alloc : memref<!tpu.dma_semaphore, #tpu.memory_space<semaphore_mem>>
      %dma_start3A_313 = arith.constant 0 : i32
      %dma_start3A_314 = tpu.memref_slice %arg4[%add3A_281, %dma_start3A_313] : memref<425984x64xf32, #tpu.memory_space<hbm>> -> memref<512x64xf32, #tpu.memory_space<hbm>>
      %dma_start3A_315 = arith.constant 0 : i32
      %dma_start3A_316 = tpu.memref_slice %arg4[%add3A_281, %dma_start3A_315] : memref<425984x64xf32, #tpu.memory_space<hbm>> -> memref<512x64xf32, #tpu.memory_space<hbm>>
      tpu.enqueue_dma source(%arg6 : memref<512x64xf32, #tpu.memory_space<vmem>>) target(%dma_start3A_316 : memref<512x64xf32, #tpu.memory_space<hbm>>) target_semaphore(%run_scoped3A : memref<!tpu.dma_semaphore, #tpu.memory_space<semaphore_mem>>)
      %dma_wait3A_317 = arith.constant 0 : i32
      %dma_wait3A_318 = tpu.memref_slice %arg4[%add3A_281, %dma_wait3A_317] : memref<425984x64xf32, #tpu.memory_space<hbm>> -> memref<512x64xf32, #tpu.memory_space<hbm>>
      %dma_wait3A_319 = arith.constant 0 : i32
      %dma_wait3A_320 = tpu.memref_slice %arg4[%add3A_281, %dma_wait3A_319] : memref<425984x64xf32, #tpu.memory_space<hbm>> -> memref<512x64xf32, #tpu.memory_space<hbm>>
      tpu.wait_dma2 semaphore(%run_scoped3A : memref<!tpu.dma_semaphore, #tpu.memory_space<semaphore_mem>>) src(%arg6 : memref<512x64xf32, #tpu.memory_space<vmem>>) dst(%dma_wait3A_320 : memref<512x64xf32, #tpu.memory_space<hbm>>)
      tpu.yield
    }) : () -> ()
    %dma_start3A_282 = arith.constant 12288 : i32
    %dma_start3A_283 = tpu.memref_slice %arg5[%dma_start3A_282] : memref<13312xi32, #tpu.memory_space<vmem>> -> memref<512xi32, #tpu.memory_space<vmem>>
    %dma_start3A_284 = arith.constant 0 : i32
    %dma_start3A_285 = arith.constant 0 : i32
    %dma_start3A_286 = tpu.memref_slice %arg3[%dma_start3A_284, %dma_start3A_285] : memref<2000000x64xf32, #tpu.memory_space<hbm>> -> memref<2000000x64xf32, #tpu.memory_space<hbm>>
    tpu.enqueue_indirect_dma source(%dma_start3A_286 : memref<2000000x64xf32, #tpu.memory_space<hbm>>) target(%arg6 : memref<512x64xf32, #tpu.memory_space<vmem>>) offsets(%dma_start3A_283 : memref<512xi32, #tpu.memory_space<vmem>>) semaphore(%arg8 : memref<!tpu.dma_semaphore, #tpu.memory_space<semaphore_mem>>)
    %dma_wait3A_287 = arith.constant 11776 : i32
    %dma_wait3A_288 = tpu.memref_slice %arg5[%dma_wait3A_287] : memref<13312xi32, #tpu.memory_space<vmem>> -> memref<512xi32, #tpu.memory_space<vmem>>
    %dma_wait3A_289 = arith.constant 0 : i32
    %dma_wait3A_290 = arith.constant 0 : i32
    %dma_wait3A_291 = tpu.memref_slice %arg3[%dma_wait3A_289, %dma_wait3A_290] : memref<2000000x64xf32, #tpu.memory_space<hbm>> -> memref<2000000x64xf32, #tpu.memory_space<hbm>>
    tpu.wait_indirect_dma semaphore(%arg9 : memref<!tpu.dma_semaphore, #tpu.memory_space<semaphore_mem>>) src(%dma_wait3A_291 : memref<2000000x64xf32, #tpu.memory_space<hbm>>) dst(%arg7 : memref<512x64xf32, #tpu.memory_space<vmem>>)
    %add3A_292 = arith.constant 11776 : i32
    %add3A_293 = arith.addi %mul3A_2, %add3A_292 : i32
    "tpu.region"() ({
      %run_scoped3A = tpu.sem_alloc : memref<!tpu.dma_semaphore, #tpu.memory_space<semaphore_mem>>
      %dma_start3A_313 = arith.constant 0 : i32
      %dma_start3A_314 = tpu.memref_slice %arg4[%add3A_293, %dma_start3A_313] : memref<425984x64xf32, #tpu.memory_space<hbm>> -> memref<512x64xf32, #tpu.memory_space<hbm>>
      %dma_start3A_315 = arith.constant 0 : i32
      %dma_start3A_316 = tpu.memref_slice %arg4[%add3A_293, %dma_start3A_315] : memref<425984x64xf32, #tpu.memory_space<hbm>> -> memref<512x64xf32, #tpu.memory_space<hbm>>
      tpu.enqueue_dma source(%arg7 : memref<512x64xf32, #tpu.memory_space<vmem>>) target(%dma_start3A_316 : memref<512x64xf32, #tpu.memory_space<hbm>>) target_semaphore(%run_scoped3A : memref<!tpu.dma_semaphore, #tpu.memory_space<semaphore_mem>>)
      %dma_wait3A_317 = arith.constant 0 : i32
      %dma_wait3A_318 = tpu.memref_slice %arg4[%add3A_293, %dma_wait3A_317] : memref<425984x64xf32, #tpu.memory_space<hbm>> -> memref<512x64xf32, #tpu.memory_space<hbm>>
      %dma_wait3A_319 = arith.constant 0 : i32
      %dma_wait3A_320 = tpu.memref_slice %arg4[%add3A_293, %dma_wait3A_319] : memref<425984x64xf32, #tpu.memory_space<hbm>> -> memref<512x64xf32, #tpu.memory_space<hbm>>
      tpu.wait_dma2 semaphore(%run_scoped3A : memref<!tpu.dma_semaphore, #tpu.memory_space<semaphore_mem>>) src(%arg7 : memref<512x64xf32, #tpu.memory_space<vmem>>) dst(%dma_wait3A_320 : memref<512x64xf32, #tpu.memory_space<hbm>>)
      tpu.yield
    }) : () -> ()
    %dma_start3A_294 = arith.constant 12800 : i32
    %dma_start3A_295 = tpu.memref_slice %arg5[%dma_start3A_294] : memref<13312xi32, #tpu.memory_space<vmem>> -> memref<512xi32, #tpu.memory_space<vmem>>
    %dma_start3A_296 = arith.constant 0 : i32
    %dma_start3A_297 = arith.constant 0 : i32
    %dma_start3A_298 = tpu.memref_slice %arg3[%dma_start3A_296, %dma_start3A_297] : memref<2000000x64xf32, #tpu.memory_space<hbm>> -> memref<2000000x64xf32, #tpu.memory_space<hbm>>
    tpu.enqueue_indirect_dma source(%dma_start3A_298 : memref<2000000x64xf32, #tpu.memory_space<hbm>>) target(%arg7 : memref<512x64xf32, #tpu.memory_space<vmem>>) offsets(%dma_start3A_295 : memref<512xi32, #tpu.memory_space<vmem>>) semaphore(%arg9 : memref<!tpu.dma_semaphore, #tpu.memory_space<semaphore_mem>>)
    %dma_wait3A_299 = arith.constant 12288 : i32
    %dma_wait3A_300 = tpu.memref_slice %arg5[%dma_wait3A_299] : memref<13312xi32, #tpu.memory_space<vmem>> -> memref<512xi32, #tpu.memory_space<vmem>>
    %dma_wait3A_301 = arith.constant 0 : i32
    %dma_wait3A_302 = arith.constant 0 : i32
    %dma_wait3A_303 = tpu.memref_slice %arg3[%dma_wait3A_301, %dma_wait3A_302] : memref<2000000x64xf32, #tpu.memory_space<hbm>> -> memref<2000000x64xf32, #tpu.memory_space<hbm>>
    tpu.wait_indirect_dma semaphore(%arg8 : memref<!tpu.dma_semaphore, #tpu.memory_space<semaphore_mem>>) src(%dma_wait3A_303 : memref<2000000x64xf32, #tpu.memory_space<hbm>>) dst(%arg6 : memref<512x64xf32, #tpu.memory_space<vmem>>)
    %add3A_304 = arith.constant 12288 : i32
    %add3A_305 = arith.addi %mul3A_2, %add3A_304 : i32
    "tpu.region"() ({
      %run_scoped3A = tpu.sem_alloc : memref<!tpu.dma_semaphore, #tpu.memory_space<semaphore_mem>>
      %dma_start3A_313 = arith.constant 0 : i32
      %dma_start3A_314 = tpu.memref_slice %arg4[%add3A_305, %dma_start3A_313] : memref<425984x64xf32, #tpu.memory_space<hbm>> -> memref<512x64xf32, #tpu.memory_space<hbm>>
      %dma_start3A_315 = arith.constant 0 : i32
      %dma_start3A_316 = tpu.memref_slice %arg4[%add3A_305, %dma_start3A_315] : memref<425984x64xf32, #tpu.memory_space<hbm>> -> memref<512x64xf32, #tpu.memory_space<hbm>>
      tpu.enqueue_dma source(%arg6 : memref<512x64xf32, #tpu.memory_space<vmem>>) target(%dma_start3A_316 : memref<512x64xf32, #tpu.memory_space<hbm>>) target_semaphore(%run_scoped3A : memref<!tpu.dma_semaphore, #tpu.memory_space<semaphore_mem>>)
      %dma_wait3A_317 = arith.constant 0 : i32
      %dma_wait3A_318 = tpu.memref_slice %arg4[%add3A_305, %dma_wait3A_317] : memref<425984x64xf32, #tpu.memory_space<hbm>> -> memref<512x64xf32, #tpu.memory_space<hbm>>
      %dma_wait3A_319 = arith.constant 0 : i32
      %dma_wait3A_320 = tpu.memref_slice %arg4[%add3A_305, %dma_wait3A_319] : memref<425984x64xf32, #tpu.memory_space<hbm>> -> memref<512x64xf32, #tpu.memory_space<hbm>>
      tpu.wait_dma2 semaphore(%run_scoped3A : memref<!tpu.dma_semaphore, #tpu.memory_space<semaphore_mem>>) src(%arg6 : memref<512x64xf32, #tpu.memory_space<vmem>>) dst(%dma_wait3A_320 : memref<512x64xf32, #tpu.memory_space<hbm>>)
      tpu.yield
    }) : () -> ()
    %dma_wait3A_306 = arith.constant 12800 : i32
    %dma_wait3A_307 = tpu.memref_slice %arg5[%dma_wait3A_306] : memref<13312xi32, #tpu.memory_space<vmem>> -> memref<512xi32, #tpu.memory_space<vmem>>
    %dma_wait3A_308 = arith.constant 0 : i32
    %dma_wait3A_309 = arith.constant 0 : i32
    %dma_wait3A_310 = tpu.memref_slice %arg3[%dma_wait3A_308, %dma_wait3A_309] : memref<2000000x64xf32, #tpu.memory_space<hbm>> -> memref<2000000x64xf32, #tpu.memory_space<hbm>>
    tpu.wait_indirect_dma semaphore(%arg9 : memref<!tpu.dma_semaphore, #tpu.memory_space<semaphore_mem>>) src(%dma_wait3A_310 : memref<2000000x64xf32, #tpu.memory_space<hbm>>) dst(%arg7 : memref<512x64xf32, #tpu.memory_space<vmem>>)
    %add3A_311 = arith.constant 12800 : i32
    %add3A_312 = arith.addi %mul3A_2, %add3A_311 : i32
    "tpu.region"() ({
      %run_scoped3A = tpu.sem_alloc : memref<!tpu.dma_semaphore, #tpu.memory_space<semaphore_mem>>
      %dma_start3A_313 = arith.constant 0 : i32
      %dma_start3A_314 = tpu.memref_slice %arg4[%add3A_312, %dma_start3A_313] : memref<425984x64xf32, #tpu.memory_space<hbm>> -> memref<512x64xf32, #tpu.memory_space<hbm>>
      %dma_start3A_315 = arith.constant 0 : i32
      %dma_start3A_316 = tpu.memref_slice %arg4[%add3A_312, %dma_start3A_315] : memref<425984x64xf32, #tpu.memory_space<hbm>> -> memref<512x64xf32, #tpu.memory_space<hbm>>
      tpu.enqueue_dma source(%arg7 : memref<512x64xf32, #tpu.memory_space<vmem>>) target(%dma_start3A_316 : memref<512x64xf32, #tpu.memory_space<hbm>>) target_semaphore(%run_scoped3A : memref<!tpu.dma_semaphore, #tpu.memory_space<semaphore_mem>>)
      %dma_wait3A_317 = arith.constant 0 : i32
      %dma_wait3A_318 = tpu.memref_slice %arg4[%add3A_312, %dma_wait3A_317] : memref<425984x64xf32, #tpu.memory_space<hbm>> -> memref<512x64xf32, #tpu.memory_space<hbm>>
      %dma_wait3A_319 = arith.constant 0 : i32
      %dma_wait3A_320 = tpu.memref_slice %arg4[%add3A_312, %dma_wait3A_319] : memref<425984x64xf32, #tpu.memory_space<hbm>> -> memref<512x64xf32, #tpu.memory_space<hbm>>
      tpu.wait_dma2 semaphore(%run_scoped3A : memref<!tpu.dma_semaphore, #tpu.memory_space<semaphore_mem>>) src(%arg7 : memref<512x64xf32, #tpu.memory_space<vmem>>) dst(%dma_wait3A_320 : memref<512x64xf32, #tpu.memory_space<hbm>>)
      tpu.yield
    }) : () -> ()
    return
  }
}

module attributes {stable_mosaic.version = 14 : i64} {
  func.func @_transpose_body(%arg0: i32, %arg1: memref<64x8192xf32, #tpu.memory_space<vmem>>, %arg2: memref<8192x128xf32, #tpu.memory_space<vmem>>) attributes {dimension_semantics = [#tpu.dimension_semantics<arbitrary>], iteration_bounds = array<i64: 123>, scalar_prefetch = 0 : i64, scratch_operands = 0 : i64, tpu.core_type = #tpu.core_type<tc>, window_params = [{transform_indices = @transform_0, window_bounds = array<i64: 64, 8192>}, {transform_indices = @transform_1, window_bounds = array<i64: 8192, 128>}]} {
    %get3A = arith.constant 0 : index
    %get3A_0 = arith.constant 0 : index
    %get3A_1 = vector.load %arg1[%get3A, %get3A_0] : memref<64x8192xf32, #tpu.memory_space<vmem>>, vector<64x8192xf32>
    %transpose3A = tpu.transpose %get3A_1, [1, 0] : vector<64x8192xf32> -> vector<8192x64xf32>
    %broadcast_in_dim3A = arith.constant 0.000000e+00 : f32
    %broadcast_in_dim3A_2 = vector.broadcast %broadcast_in_dim3A : f32 to vector<8192x64xf32>
    %concatenate3A = tpu.concatenate %transpose3A, %broadcast_in_dim3A_2 in 1 : vector<8192x64xf32>, vector<8192x64xf32> -> vector<8192x128xf32>
    %swap3A = arith.constant 0 : index
    %swap3A_3 = arith.constant 0 : index
    %swap3A_4 = vector.load %arg2[%swap3A, %swap3A_3] : memref<8192x128xf32, #tpu.memory_space<vmem>>, vector<8192x128xf32>
    tpu.vector_store %arg2[%swap3A, %swap3A_3], %concatenate3A {strides = array<i32>} : memref<8192x128xf32, #tpu.memory_space<vmem>>, vector<8192x128xf32>,
    return
  }
  func.func @transform_0(%arg0: i32) -> (i32, i32) {
    %c0_i32 = arith.constant 0 : i32
    %c0_i32_0 = arith.constant 0 : i32
    return %c0_i32, %arg0 : i32, i32
  }
  func.func @transform_1(%arg0: i32) -> (i32, i32) {
    %c0_i32 = arith.constant 0 : i32
    %c0_i32_0 = arith.constant 0 : i32
    return %arg0, %c0_i32 : i32, i32
  }
}

</mosaic_0001>

<sc_bundles>
// kernel: kernel.4.cloned.1.call-start
scs
__scs_entry_jumppad:
0x0: {  	(pc) =	sbr.rel $0x88, $3  }
0x1: {  	(tag) =	ssettag $0x0;
	lr =	simm.s32 $0x1  }
0x2: {  	[smem:$0x3F9F] =	sst lr;
	_ =	strace $0xD0000000  }
0x3: {  	_ = 	snop  }
0x4: {  	_ = 	snop  }
0x5: {  	_ = 	snop  }
0x6: {  	_ = 	snop  }
0x7: {  	_ = 	snop  }
__scs_overlays_trampoline_lowered:
0x8: {  	[smem:$0x3FAE] =	sst s0  }
0x9: {  	[smem:$0x3FAF] =	sst s1  }
0xa: {  	[smem:$0x3FB0] =	sst s2  }
0xb: {  	[smem:$0x3FB1] =	sst s3  }
0xc: {  	[smem:$0x3FB2] =	sst s4  }
0xd: {  	[smem:$0x3FB3] =	sst s5  }
0xe: {  	[smem:$0x3FB4] =	sst s6  }
0xf: {  	[smem:$0x3FB5] =	sst s7  }
0x10: {  	[smem:$0x3FB6] =	sst s8  }
0x11: {  	[smem:$0x3FB7] =	sst s9;
	s0 =	simm.s32 @!p0 $0x0  }
0x12: {  	s1 =	sld [smem:$0x3F9D];
	s0 =	simm.s32 @p0 $0x1  }
0x13: {  	[smem:$0x3FB8] =	sst s0;
	s0 =	simm.s32 @!p1 $0x0  }
0x14: {  	s2 =	sld [smem:$0x3F9C];
	s0 =	simm.s32 @p1 $0x1  }
0x15: {  	[smem:$0x3FB9] =	sst s0;
	s0 =	simm.s32 @!p2 $0x0  }
0x16: {  	s3 =	sld [smem:$0x3FDB];
	s0 =	simm.s32 @p2 $0x1  }
0x17: {  	s4 =	simm.s32 $0x1BF5;
	[smem:$0x3FBB] =	sst s0  }
0x18: {  	s0 =	sld [smem:$0x3F9E];
	_ =	swait.ge [sflag:s4], $0x0  }
0x19: {  	s7 =	sld [smem:$0x3F9F]  }
0x1a: {  	s8 =	sadd.s32 $0xFFFFE003, lr  }
0x1b: {  	s9 =	sadd.s32 $0xFFFFFEF7, lr;
	s5 =	simm.s32 $0xFFFFFFFF;
	p2 =	slt.u32 s8, $0xFFFFF086  }
0x1c: {  	p1 =	slt.u32 s9, $0xF7A;
	s5 =	simm.s32 @!p2 $0x0  }
0x1d: {  	s5 =	simm.s32 @p1 $0x1;
	p0 =	seq.s32 s7, s2  }
0x1e: {  	s7 =	smul.u32 @!p0 $0xF7A, s2;
	p2 =	seq.s32 @!p0 s5, $0x0  }
0x1f: {  	s9 =	smul.u32 $0xF7A, s1;
	s8 =	simm.s32 @!p0 $0x1BF5;
	p2 =	por !p2, p0  }
0x20: {  	[sflag:s8] =	ssyncset.s32 @!p0 $0xFFFFF086;
	s6 =	sadd.s32 @!p0 s3, s7;
	s7 =	simm.s32 @!p0 $0x108  }
0x21: {  	s3 =	sadd.s32 s3, s9;
	s6 =	sadd.s32 @!p0 $0x88, s6;
	s7 =	simm.s32 @p2 $0x1082  }
0x22: {  	[simem:s7], [sflag:s8] =	dma.local @!p0 [hbm:s6], $0xF7A  }
0x23: {  	s9 =	sor.u32 $0xD0000000, s2;
	s6 =	simm.s32 $0x108;
	_ =	swait.ge @!p0 [sflag:s8], $0x0  }
0x24: {  	s3 =	sadd.s32 $0x88, s3;
	s6 =	simm.s32 @!p1 $0x1082;
	[sflag:s4] =	ssyncset.s32 $0xFFFFF086  }
0x25: {  	[simem:s6], [sflag:s4] =	dma.local [hbm:s3], $0xF7A  }
0x26: {  	[smem:$0x3F9F] =	sst s1;
	(tag) =	ssettag s2;
	_ =	strace s9  }
0x27: {  	s1 =	sld [smem:$0x3FAF]  }
0x28: {  	s2 =	sld [smem:$0x3FB0]  }
0x29: {  	s4 =	sld [smem:$0x3FB2]  }
0x2a: {  	p0 =	seq.s32 s5, $0x0;
	s5 =	sld [smem:$0x3FB3]  }
0x2b: {  	s6 =	sld [smem:$0x3FB4]  }
0x2c: {  	s7 =	sld [smem:$0x3FB5]  }
0x2d: {  	s3 =	simm.s32 $0x108;
	s8 =	sld [smem:$0x3FB6]  }
0x2e: {  	s3 =	simm.s32 @!p0 $0x1082;
	s9 =	sld [smem:$0x3FB7]  }
0x2f: {  	lr =	sadd.s32 s0, s3;
	s0 =	sld [smem:$0x3FAE]  }
0x30: {  	s3 =	sld [smem:$0x3FB1]  }
0x31: {  	[smem:$0x3FBA] =	sst s10  }
0x32: {  	s10 =	sld [smem:$0x3FB8];
	_ =	sdelay $0x3  }
0x33: {  	p0 =	seq.s32 s10, $0x1;
	s10 =	sld [smem:$0x3FBA];
	_ =	sdelay $0x3  }
0x34: {  	[smem:$0x3FBA] =	sst s10  }
0x35: {  	s10 =	sld [smem:$0x3FB9];
	_ =	sdelay $0x3  }
0x36: {  	p1 =	seq.s32 s10, $0x1;
	s10 =	sld [smem:$0x3FBA];
	_ =	sdelay $0x3  }
0x37: {  	[smem:$0x3FBA] =	sst s10  }
0x38: {  	s10 =	sld [smem:$0x3FBB]  }
0x39: {  	_ = 	snop;
	(pc) =	sbr.ind lr, $3  }
0x3a: {  	_ = 	snop  }
0x3b: {  	_ = 	snop  }
0x3c: {  	p2 =	seq.s32 s10, $0x1;
	s10 =	sld [smem:$0x3FBA]  }
0x3d: {  	_ =	shalt  }
0x3e: {  	_ =	shalt  }
0x3f: {  	_ =	shalt  }
0x40: {  	_ =	shalt  }
0x41: {  	_ =	shalt  }
0x42: {  	_ =	shalt  }
0x43: {  	_ =	shalt  }
0x44: {  	_ =	shalt  }
0x45: {  	_ =	shalt  }
0x46: {  	_ =	shalt  }
0x47: {  	_ =	shalt  }
0x48: {  	_ =	shalt  }
0x49: {  	_ =	shalt  }
0x4a: {  	_ =	shalt  }
0x4b: {  	_ =	shalt  }
0x4c: {  	_ =	shalt  }
0x4d: {  	_ =	shalt  }
0x4e: {  	_ =	shalt  }
0x4f: {  	_ =	shalt  }
0x50: {  	_ =	shalt  }
0x51: {  	_ =	shalt  }
0x52: {  	_ =	shalt  }
0x53: {  	_ =	shalt  }
0x54: {  	_ =	shalt  }
0x55: {  	_ =	shalt  }
0x56: {  	_ =	shalt  }
0x57: {  	_ =	shalt  }
0x58: {  	_ =	shalt  }
0x59: {  	_ =	shalt  }
0x5a: {  	_ =	shalt  }
0x5b: {  	_ =	shalt  }
0x5c: {  	_ =	shalt  }
0x5d: {  	_ =	shalt  }
0x5e: {  	_ =	shalt  }
0x5f: {  	_ =	shalt  }
0x60: {  	_ =	shalt  }
0x61: {  	_ =	shalt  }
0x62: {  	_ =	shalt  }
0x63: {  	_ =	shalt  }
0x64: {  	_ =	shalt  }
0x65: {  	_ =	shalt  }
0x66: {  	_ =	shalt  }
0x67: {  	_ =	shalt  }
0x68: {  	_ =	shalt  }
0x69: {  	_ =	shalt  }
0x6a: {  	_ =	shalt  }
0x6b: {  	_ =	shalt  }
0x6c: {  	_ =	shalt  }
0x6d: {  	_ =	shalt  }
0x6e: {  	_ =	shalt  }
0x6f: {  	_ =	shalt  }
0x70: {  	_ =	shalt  }
0x71: {  	_ =	shalt  }
0x72: {  	_ =	shalt  }
0x73: {  	_ =	shalt  }
0x74: {  	_ =	shalt  }
0x75: {  	_ =	shalt  }
0x76: {  	_ =	shalt  }
0x77: {  	_ =	shalt  }
0x78: {  	_ =	shalt  }
0x79: {  	_ =	shalt  }
0x7a: {  	_ =	shalt  }
0x7b: {  	_ =	shalt  }
0x7c: {  	_ =	shalt  }
0x7d: {  	_ =	shalt  }
0x7e: {  	_ =	shalt  }
0x7f: {  	_ =	shalt  }
0x80: {  	_ =	shalt  }
0x81: {  	_ =	shalt  }
0x82: {  	_ =	shalt  }
0x83: {  	_ =	shalt  }
0x84: {  	_ =	shalt  }
0x85: {  	_ =	shalt  }
0x86: {  	_ =	shalt  }
0x87: {  	_ =	shalt  }
.Lfunc_end0:
.L_simem_size_0:
called_computation.1_lowered:
.L_overlay_start_0:
0x88: {  	s2 =	sld [smem:$0x3FD9]  }
0x89: {  	s3 =	sld [smem:$0x3FFE];
	_ =	sdelay $0x1  }
0x8a: {  	s1 =	srdreg.scid  }
0x8b: {  	s0 =	sand.u32 $0x1, s1  }
0x8c: {  	s17 =	sshll.u32 s0, $0xA;
	s2 =	sadd.s32 s3, s2  }
0x8d: {  	s2 =	sadd.s32 s2, s17  }
0x8e: {  	[smem:$0x3FC6] =	sst s2  }
0x8f: {  	_ = 	snop  }
0x90: {  	s2 =	sld [smem:$0x3FD0];
	(tm) =	ssettm $0x1  }
0x91: {  	s18 =	sld [smem:$0x3FFB];
	_ =	sdelay $0x3  }
0x92: {  	_ =	strace s18  }
0x93: {  	s3 =	sld [smem:$0x3FFC];
	_ =	sdelay $0x3  }
0x94: {  	_ =	strace s3  }
0x95: {  	s3 =	sld [smem:$0x3FFD];
	_ =	sdelay $0x3  }
0x96: {  	_ =	strace s3  }
0x97: {  	_ =	strace $0x8FFFFFFF  }
0x98: {  	s19 =	sld [smem:$0x3FDB];
	_ =	sdelay $0x1  }
0x99: {  	s4 =	simm.s32 $_scs_section_size  }
0x9a: {  	s5 =	simm.s32 $_size__tile_overlayer_lowered;
	s6 =	simm.s32 $_tile_overlayer_lowered  }
0x9b: {  	s22 =	simm.s32 $0x1BFF;
	s21 =	sshll.u32 s6, $0x1;
	s3 =	sadd.s32 s4, s19  }
0x9c: {  	s7 =	simm.s32 $0x0;
	s20 =	sshll.u32 s5, $0x1;
	s5 =	sadd.s32 s21, s3  }
0x9d: {  	[timem:s7], [sflag:s22] =	dma.local [hbm:s5], s20  }
0x9e: {  	_ =	swait.ge [sflag:s22], s20  }
0x9f: {  	s4 =	ssub.s32 $0x0, s20;
	[sflag:s22] =	ssyncset.done $0x0  }
0xa0: {  	[sflag:s22] =	ssyncadd.s32 s4;
	_ =	sdelay $0x1  }
0xa1: {  	s23 =	simm.s32 $0x1B8B  }
0xa2: {  	_ =	swait.ge [sflag:s23], $0x1  }
0xa3: {  	[sflag:s23] =	ssyncset.done $0x0  }
0xa4: {  	s25 =	simm.s32 $0x1B8E;
	s24 =	sld [smem:$0x3FFE];
	[sflag:s23] =	ssyncadd.s32 $0xFFFFFFFF  }
0xa5: {  	s26 =	simm.s32 $execute0_lowered;
	[smem:$0x3FD2] =	sst s25  }
0xa6: {  	s5 =	sshll.u32 s26, $0x1;
	_ =	strace $0x80000046;
	[dreg:$0x1] =	wrdreg $0xFFFFFFFF  }
0xa7: {  	s28 =	simm.s32 $_size_execute0_lowered;
	s3 =	sadd.s32 s3, s5;
	[dreg:$0x0] =	wrdreg $0x0  }
0xa8: {  	s5 =	sshll.u32 s28, $0x1;
	[dreg:$0x2] =	wrdreg s3  }
0xa9: {  	[dreg:$0x3] =	wrdreg s5  }
0xaa: {  	[dreg:$0x4] =	wrdreg $0xC0  }
0xab: {  	_ =	task [dreg:s7], $0x5FFFF  }
0xac: {  	[dreg:$0x1] =	wrdreg $0xFFFFFFFF  }
0xad: {  	[dreg:$0x0] =	wrdreg $0x60  }
0xae: {  	[dreg:$0x2] =	wrdreg s24  }
0xaf: {  	[dreg:$0x3] =	wrdreg s2  }
0xb0: {  	[dreg:$0x4] =	wrdreg $0x9  }
0xb1: {  	_ =	task.clear_ibuf [dreg:s7], $0x5FFFF;
	_ =	strace $0x90000046  }
0xb2: {  	s29 =	simm.s32 $0x9;
	_ =	strace $0x80000048  }
0xb3: {  	_ =	swait.ge [sflag:s29], $0x1  }
0xb4: {  	[sflag:s29] =	ssyncadd.s32 $0xFFFFFFFF  }
0xb5: {  	_ =	strace $0x90000048  }
0xb6: {  	_ =	sfence  }
0xb7: {  	s30 =	sld [smem:$0x0];
	_ =	sdelay $0x2  }
0xb8: {  	s31 =	sshll.u32 s1, $0xD;
	s1 =	sshrl.u32 s1, $0x2  }
0xb9: {  	s3 =	sand.u32 $0x4000, s31;
	s1 =	sadd.s32 s1, s30  }
0xba: {  	s0 =	sor.u32 s3, s0;
	s1 =	sshll.u32 s1, $0x11  }
0xbb: {  	s0 =	sor.u32 s1, s0  }
0xbc: {  	s0 =	sadd.s32 $0x8F2B, s0  }
0xbd: {  	[sflag:s0] =	ssyncadd.remote.s32 $0x1  }
0xbe: {  	_ =	sfence.sel $0xFFFF  }
0xbf: {  	[dreg:$0x0] =	wrdreg $0xFFFFFFFF;
	(pc) =	sbr.abs _section_cstart, $3  }
0xc0: {  	[dreg:$0x1] =	wrdreg $0xFFFFFFFF  }
0xc1: {  	_ =	task.clear_ibuf [dreg:s7], $0x2FFFF;
	_ =	strace $0x9FFFFFFF  }
0xc2: {  	(tm) =	ssettm $0x7FFFFFFF  }
0xc3: {  	_ =	shalt  }
tec
execute0_lowered:
.L_overlay_start_1:
0x0: {  	(tag) =	ssettag $0x1  }
0x1: {  	s0 =	srdreg.scid;
	s1 =	stileid.u32  }
0x2: {  	s3 =	sand.u32 $0x1, s0;
	s10 =	sshll.u32 s1, $0x1  }
0x3: {  	s0 =	sor.u32 s3, s10  }
0x4: {  	s5 =	smul.u32 $0x680, s0  }
0x5: {  	s2 =	simm.s32 $0x0;
	s1 =	rddreg [dreg:$0x0];
	s6 =	smul.u32 $0x1A000, s0  }
0x6: {  	[smem:$0x7FF] =	sst s2;
	s0 =	smul.u32 $0xD0000, s0  }
0x7: {  	s4 =	rddreg [dreg:$0x1];
	_ =	strace $0x80000047;
	s5 =	sadd.s32 s5, s1  }
0x8: {  	s26 =	sadd.s32 s4, s6;
	s0 =	sshrl.u32 s0, $0x3;
	s5 =	sadd.s32 $0x800, s5  }
0x9: {  	s11 =	sadd.s32 $0x1000, s26;
	s0 =	sadd.s32 s4, s0;
	[dreg:$0x3] =	wrdreg s5  }
0xa: {  	[dreg:$0x4] =	wrdreg s11;
	s4 =	sadd.s32 $0x2000, s0  }
0xb: {  	s12 =	sadd.s32 $0x3000, s0;
	[dreg:$0x5] =	wrdreg s4  }
0xc: {  	s13 =	sadd.s32 $0x4000, s0;
	[dreg:$0x6] =	wrdreg s12  }
0xd: {  	s14 =	sadd.s32 $0x5000, s0;
	[dreg:$0x7] =	wrdreg s13  }
0xe: {  	s15 =	sadd.s32 $0x6000, s0;
	[dreg:$0x8] =	wrdreg s14  }
0xf: {  	s16 =	sadd.s32 $0x7000, s0;
	[dreg:$0x9] =	wrdreg s15  }
0x10: {  	s17 =	sadd.s32 $0x8000, s0;
	[dreg:$0xa] =	wrdreg s16  }
0x11: {  	s18 =	sadd.s32 $0x9000, s0;
	[dreg:$0xb] =	wrdreg s17  }
0x12: {  	s19 =	sadd.s32 $0xA000, s0;
	[dreg:$0xc] =	wrdreg s18  }
0x13: {  	s20 =	sadd.s32 $0xB000, s0;
	[dreg:$0xd] =	wrdreg s19  }
0x14: {  	s21 =	sadd.s32 $0xC000, s0;
	[dreg:$0xe] =	wrdreg s20  }
0x15: {  	s22 =	sadd.s32 $0xD000, s0;
	[dreg:$0xf] =	wrdreg s21  }
0x16: {  	s23 =	sadd.s32 $0xE000, s0;
	[dreg:$0x10] =	wrdreg s22  }
0x17: {  	s24 =	sadd.s32 $0xF000, s0;
	[dreg:$0x11] =	wrdreg s23  }
0x18: {  	s25 =	sadd.s32 $0x10000, s0;
	[dreg:$0x12] =	wrdreg s24  }
0x19: {  	s5 =	sadd.s32 $0x11000, s0;
	[dreg:$0x13] =	wrdreg s25  }
0x1a: {  	s6 =	sadd.s32 $0x12000, s0;
	[dreg:$0x14] =	wrdreg s5  }
0x1b: {  	s7 =	sadd.s32 $0x13000, s0;
	[dreg:$0x15] =	wrdreg s6  }
0x1c: {  	s31 =	simm.s32 $0xC00;
	s8 =	sadd.s32 $0x14000, s0;
	[dreg:$0x16] =	wrdreg s7  }
0x1d: {  	s30 =	simm.s32 $0xE00;
	s9 =	sadd.s32 $0x15000, s0;
	[dreg:$0x17] =	wrdreg s8  }
0x1e: {  	s29 =	simm.s32 $0x1000;
	s10 =	sadd.s32 $0x16000, s0;
	[dreg:$0x18] =	wrdreg s9  }
0x1f: {  	s28 =	simm.s32 $0x1200;
	s11 =	sadd.s32 $0x17000, s0;
	[dreg:$0x19] =	wrdreg s10  }
0x20: {  	p0 =	por $0x0, $0x0;
	s3 =	ssub.s32 $0x2, s3;
	[dreg:$0x1a] =	wrdreg s11  }
0x21: {  	s12 =	sadd.s32 $0x18000, s0;
	s13 =	sshrl.u32 s3, $0x1;
	s0 =	sadd.s32 $0x19000, s0  }
0x22: {  	s5 =	sadd.s32 $0xD800, s1;
	s22 =	simm.s32 $0x400;
	s8 =	simm.s32 $0x200  }
0x23: {  	s23 =	simm.s32 $0x600;
	s6 =	simm.s32 $0x3400;
	s24 =	simm.s32 $0x800  }
0x24: {  	s4 =	simm.s32 $0xB400;
	s25 =	simm.s32 $0xA00;
	s9 =	simm.s32 $0x1  }
0x25: {  	s7 =	simm.s32 $0x2;
	s21 =	simm.s32 $0x1C00;
	s20 =	simm.s32 $0x1E00  }
0x26: {  	s19 =	simm.s32 $0x2000;
	s18 =	simm.s32 $0x2200;
	[dreg:$0x1b] =	wrdreg s12  }
0x27: {  	s17 =	simm.s32 $0x2400;
	s14 =	ssub.s32 s3, s13;
	[dreg:$0x1c] =	wrdreg s0  }
0x28: {  	s16 =	simm.s32 $0x2600;
	[dreg:$0x1d] =	wrdreg s22;
	s15 =	smax.u32 s14, $0x1  }
0x29: {  	s11 =	simm.s32 $0x3000;
	[dreg:$0x1e] =	wrdreg s23;
	p1 =	sne.s32 s15, $0x1  }
.Ltmp0:
0x2a: {  	s10 =	simm.s32 $0x3200;
	[dreg:$0x1f] =	wrdreg s24;
	(pc) =	sbr.rel @!p1 .LBB2_3-.Ltmp0, $4  }
0x2b: {  	s3 =	simm.s32 $0x3;
	[smem:$0x7FD] =	sst s25;
	s25 =	simm.s32 $0x1400  }
0x2c: {  	s24 =	simm.s32 $0x1600;
	s23 =	simm.s32 $0x1800;
	s22 =	simm.s32 $0x1A00  }
0x2d: {  	s13 =	simm.s32 $0x2C00;
	s12 =	simm.s32 $0x2E00;
	s0 =	rddreg [dreg:$0x3]  }
0x2e: {  	s14 =	simm.s32 $0x2A00;
	s1 =	sadd.s32 $0xFFFFFFFF, s15;
	s15 =	simm.s32 $0x2800  }
0x2f: {  	[tilespmem:s2], [sflag:$0x3] =	stream.linear.gather [hbm4b:s0+s2], $0x3400, $0x38;
	[tilespmem:$0x13400] =	vst v63  }
0x30: {  	_ =	swait.ge [sflag:s3], $0x3400  }
0x31: {  	[sflag:s3] =	ssyncset.done $0x0  }
0x32: {  	[sflag:s3] =	ssyncadd.s32 $0xFFFFCC00  }
0x33: {  	[tilespmem:s6], [sflag:$0x1] =	stream.indirect.gather [hbm4b:s5+s8], $0x40, s2, s8, $0xb8;
	[tilespmem:$0x13400] =	vst v63  }
0x34: {  	_ = 	snop  }
0x35: {  	[tilespmem:s4], [sflag:$0x2] =	stream.indirect.gather [hbm4b:s5+s8], $0x40, s8, s8, $0xb8;
	[tilespmem:$0x13400] =	vst v63  }
0x36: {  	_ =	swait.ge [sflag:s9], $0x8000  }
0x37: {  	[sflag:s9] =	ssyncset.done $0x0  }
0x38: {  	[sflag:s9] =	ssyncadd.s32 $0xFFFF8000  }
0x39: {  	[hbm4b:s26+s2] =	stream.linear.scatter [tilespmem:s6], [sflag:$0x3], $0x8000, $0x38;
	[tilespmem:$0x13400] =	vst v63  }
0x3a: {  	_ =	swait.ge [sflag:s3], $0x8000  }
0x3b: {  	[sflag:s3] =	ssyncset.done $0x0  }
0x3c: {  	s0 =	rddreg [dreg:$0x1d];
	[sflag:s3] =	ssyncadd.s32 $0xFFFF8000  }
0x3d: {  	[tilespmem:s6], [sflag:$0x1] =	stream.indirect.gather [hbm4b:s5+s8], $0x40, s0, s8, $0xb8;
	[tilespmem:$0x13400] =	vst v63  }
0x3e: {  	_ =	swait.ge [sflag:s7], $0x8000  }
0x3f: {  	[sflag:s7] =	ssyncset.done $0x0  }
0x40: {  	s0 =	rddreg [dreg:$0x4];
	[sflag:s7] =	ssyncadd.s32 $0xFFFF8000  }
0x41: {  	[hbm4b:s0+s2] =	stream.linear.scatter [tilespmem:s4], [sflag:$0x3], $0x8000, $0x38;
	[tilespmem:$0x13400] =	vst v63  }
0x42: {  	_ =	swait.ge [sflag:s3], $0x8000  }
0x43: {  	[sflag:s3] =	ssyncset.done $0x0  }
0x44: {  	s0 =	rddreg [dreg:$0x1e];
	[sflag:s3] =	ssyncadd.s32 $0xFFFF8000  }
0x45: {  	[tilespmem:s4], [sflag:$0x2] =	stream.indirect.gather [hbm4b:s5+s8], $0x40, s0, s8, $0xb8;
	[tilespmem:$0x13400] =	vst v63  }
0x46: {  	_ =	swait.ge [sflag:s9], $0x8000  }
0x47: {  	[sflag:s9] =	ssyncset.done $0x0  }
0x48: {  	s0 =	rddreg [dreg:$0x5];
	[sflag:s9] =	ssyncadd.s32 $0xFFFF8000  }
0x49: {  	[hbm4b:s0+s2] =	stream.linear.scatter [tilespmem:s6], [sflag:$0x3], $0x8000, $0x38;
	[tilespmem:$0x13400] =	vst v63  }
0x4a: {  	_ =	swait.ge [sflag:s3], $0x8000  }
0x4b: {  	[sflag:s3] =	ssyncset.done $0x0  }
0x4c: {  	s0 =	rddreg [dreg:$0x1f];
	[sflag:s3] =	ssyncadd.s32 $0xFFFF8000  }
0x4d: {  	[tilespmem:s6], [sflag:$0x1] =	stream.indirect.gather [hbm4b:s5+s8], $0x40, s0, s8, $0xb8;
	[tilespmem:$0x13400] =	vst v63  }
0x4e: {  	_ =	swait.ge [sflag:s7], $0x8000  }
0x4f: {  	[sflag:s7] =	ssyncset.done $0x0  }
0x50: {  	s0 =	rddreg [dreg:$0x6];
	[sflag:s7] =	ssyncadd.s32 $0xFFFF8000  }
0x51: {  	[hbm4b:s0+s2] =	stream.linear.scatter [tilespmem:s4], [sflag:$0x3], $0x8000, $0x38;
	[tilespmem:$0x13400] =	vst v63  }
0x52: {  	_ =	swait.ge [sflag:s3], $0x8000  }
0x53: {  	s0 =	sld [smem:$0x7FD]  }
0x54: {  	[sflag:s3] =	ssyncset.done $0x0  }
0x55: {  	[sflag:s3] =	ssyncadd.s32 $0xFFFF8000  }
0x56: {  	[tilespmem:s4], [sflag:$0x2] =	stream.indirect.gather [hbm4b:s5+s8], $0x40, s0, s8, $0xb8;
	[tilespmem:$0x13400] =	vst v63  }
0x57: {  	_ =	swait.ge [sflag:s9], $0x8000  }
0x58: {  	[sflag:s9] =	ssyncset.done $0x0  }
0x59: {  	s0 =	rddreg [dreg:$0x7];
	[sflag:s9] =	ssyncadd.s32 $0xFFFF8000  }
0x5a: {  	[hbm4b:s0+s2] =	stream.linear.scatter [tilespmem:s6], [sflag:$0x3], $0x8000, $0x38;
	[tilespmem:$0x13400] =	vst v63  }
0x5b: {  	_ =	swait.ge [sflag:s3], $0x8000  }
0x5c: {  	[sflag:s3] =	ssyncset.done $0x0  }
0x5d: {  	[sflag:s3] =	ssyncadd.s32 $0xFFFF8000  }
0x5e: {  	[tilespmem:s6], [sflag:$0x1] =	stream.indirect.gather [hbm4b:s5+s8], $0x40, s31, s8, $0xb8;
	[tilespmem:$0x13400] =	vst v63  }
0x5f: {  	_ =	swait.ge [sflag:s7], $0x8000  }
0x60: {  	[sflag:s7] =	ssyncset.done $0x0  }
0x61: {  	s0 =	rddreg [dreg:$0x8];
	[sflag:s7] =	ssyncadd.s32 $0xFFFF8000  }
0x62: {  	[hbm4b:s0+s2] =	stream.linear.scatter [tilespmem:s4], [sflag:$0x3], $0x8000, $0x38;
	[tilespmem:$0x13400] =	vst v63  }
0x63: {  	_ =	swait.ge [sflag:s3], $0x8000  }
0x64: {  	[sflag:s3] =	ssyncset.done $0x0  }
0x65: {  	[sflag:s3] =	ssyncadd.s32 $0xFFFF8000  }
0x66: {  	[tilespmem:s4], [sflag:$0x2] =	stream.indirect.gather [hbm4b:s5+s8], $0x40, s30, s8, $0xb8;
	[tilespmem:$0x13400] =	vst v63  }
0x67: {  	_ =	swait.ge [sflag:s9], $0x8000  }
0x68: {  	[sflag:s9] =	ssyncset.done $0x0  }
0x69: {  	s0 =	rddreg [dreg:$0x9];
	[sflag:s9] =	ssyncadd.s32 $0xFFFF8000  }
0x6a: {  	[hbm4b:s0+s2] =	stream.linear.scatter [tilespmem:s6], [sflag:$0x3], $0x8000, $0x38;
	[tilespmem:$0x13400] =	vst v63  }
0x6b: {  	_ =	swait.ge [sflag:s3], $0x8000  }
0x6c: {  	[sflag:s3] =	ssyncset.done $0x0  }
0x6d: {  	[sflag:s3] =	ssyncadd.s32 $0xFFFF8000  }
0x6e: {  	[tilespmem:s6], [sflag:$0x1] =	stream.indirect.gather [hbm4b:s5+s8], $0x40, s29, s8, $0xb8;
	[tilespmem:$0x13400] =	vst v63  }
0x6f: {  	_ =	swait.ge [sflag:s7], $0x8000  }
0x70: {  	[sflag:s7] =	ssyncset.done $0x0  }
0x71: {  	s0 =	rddreg [dreg:$0xa];
	[sflag:s7] =	ssyncadd.s32 $0xFFFF8000  }
0x72: {  	[hbm4b:s0+s2] =	stream.linear.scatter [tilespmem:s4], [sflag:$0x3], $0x8000, $0x38;
	[tilespmem:$0x13400] =	vst v63  }
0x73: {  	_ =	swait.ge [sflag:s3], $0x8000  }
0x74: {  	[sflag:s3] =	ssyncset.done $0x0  }
0x75: {  	[sflag:s3] =	ssyncadd.s32 $0xFFFF8000  }
0x76: {  	[tilespmem:s4], [sflag:$0x2] =	stream.indirect.gather [hbm4b:s5+s8], $0x40, s28, s8, $0xb8;
	[tilespmem:$0x13400] =	vst v63  }
0x77: {  	_ =	swait.ge [sflag:s9], $0x8000  }
0x78: {  	[sflag:s9] =	ssyncset.done $0x0  }
0x79: {  	s0 =	rddreg [dreg:$0xb];
	[sflag:s9] =	ssyncadd.s32 $0xFFFF8000  }
0x7a: {  	[hbm4b:s0+s2] =	stream.linear.scatter [tilespmem:s6], [sflag:$0x3], $0x8000, $0x38;
	[tilespmem:$0x13400] =	vst v63  }
0x7b: {  	_ =	swait.ge [sflag:s3], $0x8000  }
0x7c: {  	[sflag:s3] =	ssyncset.done $0x0  }
0x7d: {  	[sflag:s3] =	ssyncadd.s32 $0xFFFF8000  }
0x7e: {  	[tilespmem:s6], [sflag:$0x1] =	stream.indirect.gather [hbm4b:s5+s8], $0x40, s25, s8, $0xb8;
	[tilespmem:$0x13400] =	vst v63  }
0x7f: {  	_ =	swait.ge [sflag:s7], $0x8000  }
0x80: {  	[sflag:s7] =	ssyncset.done $0x0  }
0x81: {  	s0 =	rddreg [dreg:$0xc];
	[sflag:s7] =	ssyncadd.s32 $0xFFFF8000  }
0x82: {  	[hbm4b:s0+s2] =	stream.linear.scatter [tilespmem:s4], [sflag:$0x3], $0x8000, $0x38;
	[tilespmem:$0x13400] =	vst v63  }
0x83: {  	_ =	swait.ge [sflag:s3], $0x8000  }
0x84: {  	[sflag:s3] =	ssyncset.done $0x0  }
0x85: {  	[sflag:s3] =	ssyncadd.s32 $0xFFFF8000  }
0x86: {  	[tilespmem:s4], [sflag:$0x2] =	stream.indirect.gather [hbm4b:s5+s8], $0x40, s24, s8, $0xb8;
	[tilespmem:$0x13400] =	vst v63  }
0x87: {  	_ =	swait.ge [sflag:s9], $0x8000  }
0x88: {  	[sflag:s9] =	ssyncset.done $0x0  }
0x89: {  	s0 =	rddreg [dreg:$0xd];
	[sflag:s9] =	ssyncadd.s32 $0xFFFF8000  }
0x8a: {  	[hbm4b:s0+s2] =	stream.linear.scatter [tilespmem:s6], [sflag:$0x3], $0x8000, $0x38;
	[tilespmem:$0x13400] =	vst v63  }
0x8b: {  	_ =	swait.ge [sflag:s3], $0x8000  }
0x8c: {  	[sflag:s3] =	ssyncset.done $0x0  }
0x8d: {  	[sflag:s3] =	ssyncadd.s32 $0xFFFF8000  }
0x8e: {  	[tilespmem:s6], [sflag:$0x1] =	stream.indirect.gather [hbm4b:s5+s8], $0x40, s23, s8, $0xb8;
	[tilespmem:$0x13400] =	vst v63  }
0x8f: {  	_ =	swait.ge [sflag:s7], $0x8000  }
0x90: {  	[sflag:s7] =	ssyncset.done $0x0  }
0x91: {  	s0 =	rddreg [dreg:$0xe];
	[sflag:s7] =	ssyncadd.s32 $0xFFFF8000  }
0x92: {  	[hbm4b:s0+s2] =	stream.linear.scatter [tilespmem:s4], [sflag:$0x3], $0x8000, $0x38;
	[tilespmem:$0x13400] =	vst v63  }
0x93: {  	_ =	swait.ge [sflag:s3], $0x8000  }
0x94: {  	[sflag:s3] =	ssyncset.done $0x0  }
0x95: {  	[sflag:s3] =	ssyncadd.s32 $0xFFFF8000  }
0x96: {  	[tilespmem:s4], [sflag:$0x2] =	stream.indirect.gather [hbm4b:s5+s8], $0x40, s22, s8, $0xb8;
	[tilespmem:$0x13400] =	vst v63  }
0x97: {  	_ =	swait.ge [sflag:s9], $0x8000  }
0x98: {  	[sflag:s9] =	ssyncset.done $0x0  }
0x99: {  	s0 =	rddreg [dreg:$0xf];
	[sflag:s9] =	ssyncadd.s32 $0xFFFF8000  }
0x9a: {  	[hbm4b:s0+s2] =	stream.linear.scatter [tilespmem:s6], [sflag:$0x3], $0x8000, $0x38;
	[tilespmem:$0x13400] =	vst v63  }
0x9b: {  	_ =	swait.ge [sflag:s3], $0x8000  }
0x9c: {  	[sflag:s3] =	ssyncset.done $0x0  }
0x9d: {  	[sflag:s3] =	ssyncadd.s32 $0xFFFF8000  }
0x9e: {  	[tilespmem:s6], [sflag:$0x1] =	stream.indirect.gather [hbm4b:s5+s8], $0x40, s21, s8, $0xb8;
	[tilespmem:$0x13400] =	vst v63  }
0x9f: {  	_ =	swait.ge [sflag:s7], $0x8000  }
0xa0: {  	[sflag:s7] =	ssyncset.done $0x0  }
0xa1: {  	s0 =	rddreg [dreg:$0x10];
	[sflag:s7] =	ssyncadd.s32 $0xFFFF8000  }
0xa2: {  	[hbm4b:s0+s2] =	stream.linear.scatter [tilespmem:s4], [sflag:$0x3], $0x8000, $0x38;
	[tilespmem:$0x13400] =	vst v63  }
0xa3: {  	_ =	swait.ge [sflag:s3], $0x8000  }
0xa4: {  	[sflag:s3] =	ssyncset.done $0x0  }
0xa5: {  	[sflag:s3] =	ssyncadd.s32 $0xFFFF8000  }
0xa6: {  	[tilespmem:s4], [sflag:$0x2] =	stream.indirect.gather [hbm4b:s5+s8], $0x40, s20, s8, $0xb8;
	[tilespmem:$0x13400] =	vst v63  }
0xa7: {  	_ =	swait.ge [sflag:s9], $0x8000  }
0xa8: {  	[sflag:s9] =	ssyncset.done $0x0  }
0xa9: {  	s0 =	rddreg [dreg:$0x11];
	[sflag:s9] =	ssyncadd.s32 $0xFFFF8000  }
0xaa: {  	[hbm4b:s0+s2] =	stream.linear.scatter [tilespmem:s6], [sflag:$0x3], $0x8000, $0x38;
	[tilespmem:$0x13400] =	vst v63  }
0xab: {  	_ =	swait.ge [sflag:s3], $0x8000  }
0xac: {  	[sflag:s3] =	ssyncset.done $0x0  }
0xad: {  	[sflag:s3] =	ssyncadd.s32 $0xFFFF8000  }
0xae: {  	[tilespmem:s6], [sflag:$0x1] =	stream.indirect.gather [hbm4b:s5+s8], $0x40, s19, s8, $0xb8;
	[tilespmem:$0x13400] =	vst v63  }
0xaf: {  	_ =	swait.ge [sflag:s7], $0x8000  }
0xb0: {  	[sflag:s7] =	ssyncset.done $0x0  }
0xb1: {  	s0 =	rddreg [dreg:$0x12];
	[sflag:s7] =	ssyncadd.s32 $0xFFFF8000  }
0xb2: {  	[hbm4b:s0+s2] =	stream.linear.scatter [tilespmem:s4], [sflag:$0x3], $0x8000, $0x38;
	[tilespmem:$0x13400] =	vst v63  }
0xb3: {  	_ =	swait.ge [sflag:s3], $0x8000  }
0xb4: {  	[sflag:s3] =	ssyncset.done $0x0  }
0xb5: {  	[sflag:s3] =	ssyncadd.s32 $0xFFFF8000  }
0xb6: {  	[tilespmem:s4], [sflag:$0x2] =	stream.indirect.gather [hbm4b:s5+s8], $0x40, s18, s8, $0xb8;
	[tilespmem:$0x13400] =	vst v63  }
0xb7: {  	_ =	swait.ge [sflag:s9], $0x8000  }
0xb8: {  	[sflag:s9] =	ssyncset.done $0x0  }
0xb9: {  	s0 =	rddreg [dreg:$0x13];
	[sflag:s9] =	ssyncadd.s32 $0xFFFF8000  }
0xba: {  	[hbm4b:s0+s2] =	stream.linear.scatter [tilespmem:s6], [sflag:$0x3], $0x8000, $0x38;
	[tilespmem:$0x13400] =	vst v63  }
0xbb: {  	_ =	swait.ge [sflag:s3], $0x8000  }
0xbc: {  	[sflag:s3] =	ssyncset.done $0x0  }
0xbd: {  	[sflag:s3] =	ssyncadd.s32 $0xFFFF8000  }
0xbe: {  	[tilespmem:s6], [sflag:$0x1] =	stream.indirect.gather [hbm4b:s5+s8], $0x40, s17, s8, $0xb8;
	[tilespmem:$0x13400] =	vst v63  }
0xbf: {  	_ =	swait.ge [sflag:s7], $0x8000  }
0xc0: {  	[sflag:s7] =	ssyncset.done $0x0  }
0xc1: {  	s0 =	rddreg [dreg:$0x14];
	[sflag:s7] =	ssyncadd.s32 $0xFFFF8000  }
0xc2: {  	[hbm4b:s0+s2] =	stream.linear.scatter [tilespmem:s4], [sflag:$0x3], $0x8000, $0x38;
	[tilespmem:$0x13400] =	vst v63  }
0xc3: {  	_ =	swait.ge [sflag:s3], $0x8000  }
0xc4: {  	[sflag:s3] =	ssyncset.done $0x0  }
0xc5: {  	[sflag:s3] =	ssyncadd.s32 $0xFFFF8000  }
0xc6: {  	[tilespmem:s4], [sflag:$0x2] =	stream.indirect.gather [hbm4b:s5+s8], $0x40, s16, s8, $0xb8;
	[tilespmem:$0x13400] =	vst v63  }
0xc7: {  	_ =	swait.ge [sflag:s9], $0x8000  }
0xc8: {  	[sflag:s9] =	ssyncset.done $0x0  }
0xc9: {  	s0 =	rddreg [dreg:$0x15];
	[sflag:s9] =	ssyncadd.s32 $0xFFFF8000  }
0xca: {  	[hbm4b:s0+s2] =	stream.linear.scatter [tilespmem:s6], [sflag:$0x3], $0x8000, $0x38;
	[tilespmem:$0x13400] =	vst v63  }
0xcb: {  	_ =	swait.ge [sflag:s3], $0x8000  }
0xcc: {  	[sflag:s3] =	ssyncset.done $0x0  }
0xcd: {  	[sflag:s3] =	ssyncadd.s32 $0xFFFF8000  }
0xce: {  	[tilespmem:s6], [sflag:$0x1] =	stream.indirect.gather [hbm4b:s5+s8], $0x40, s15, s8, $0xb8;
	[tilespmem:$0x13400] =	vst v63  }
0xcf: {  	_ =	swait.ge [sflag:s7], $0x8000  }
0xd0: {  	[sflag:s7] =	ssyncset.done $0x0  }
0xd1: {  	s0 =	rddreg [dreg:$0x16];
	[sflag:s7] =	ssyncadd.s32 $0xFFFF8000  }
0xd2: {  	[hbm4b:s0+s2] =	stream.linear.scatter [tilespmem:s4], [sflag:$0x3], $0x8000, $0x38;
	[tilespmem:$0x13400] =	vst v63  }
0xd3: {  	_ =	swait.ge [sflag:s3], $0x8000  }
0xd4: {  	[sflag:s3] =	ssyncset.done $0x0  }
0xd5: {  	[sflag:s3] =	ssyncadd.s32 $0xFFFF8000  }
0xd6: {  	[tilespmem:s4], [sflag:$0x2] =	stream.indirect.gather [hbm4b:s5+s8], $0x40, s14, s8, $0xb8;
	[tilespmem:$0x13400] =	vst v63  }
0xd7: {  	_ =	swait.ge [sflag:s9], $0x8000  }
0xd8: {  	[sflag:s9] =	ssyncset.done $0x0  }
0xd9: {  	s0 =	rddreg [dreg:$0x17];
	[sflag:s9] =	ssyncadd.s32 $0xFFFF8000  }
0xda: {  	[hbm4b:s0+s2] =	stream.linear.scatter [tilespmem:s6], [sflag:$0x3], $0x8000, $0x38;
	[tilespmem:$0x13400] =	vst v63  }
0xdb: {  	_ =	swait.ge [sflag:s3], $0x8000  }
0xdc: {  	[sflag:s3] =	ssyncset.done $0x0  }
0xdd: {  	[sflag:s3] =	ssyncadd.s32 $0xFFFF8000  }
0xde: {  	[tilespmem:s6], [sflag:$0x1] =	stream.indirect.gather [hbm4b:s5+s8], $0x40, s13, s8, $0xb8;
	[tilespmem:$0x13400] =	vst v63  }
0xdf: {  	_ =	swait.ge [sflag:s7], $0x8000  }
0xe0: {  	[sflag:s7] =	ssyncset.done $0x0  }
0xe1: {  	s0 =	rddreg [dreg:$0x18];
	[sflag:s7] =	ssyncadd.s32 $0xFFFF8000  }
0xe2: {  	[hbm4b:s0+s2] =	stream.linear.scatter [tilespmem:s4], [sflag:$0x3], $0x8000, $0x38;
	[tilespmem:$0x13400] =	vst v63  }
0xe3: {  	_ =	swait.ge [sflag:s3], $0x8000  }
0xe4: {  	[sflag:s3] =	ssyncset.done $0x0  }
0xe5: {  	[sflag:s3] =	ssyncadd.s32 $0xFFFF8000  }
0xe6: {  	[tilespmem:s4], [sflag:$0x2] =	stream.indirect.gather [hbm4b:s5+s8], $0x40, s12, s8, $0xb8;
	[tilespmem:$0x13400] =	vst v63  }
0xe7: {  	_ =	swait.ge [sflag:s9], $0x8000  }
0xe8: {  	[sflag:s9] =	ssyncset.done $0x0  }
0xe9: {  	s0 =	rddreg [dreg:$0x19];
	[sflag:s9] =	ssyncadd.s32 $0xFFFF8000  }
0xea: {  	[hbm4b:s0+s2] =	stream.linear.scatter [tilespmem:s6], [sflag:$0x3], $0x8000, $0x38;
	[tilespmem:$0x13400] =	vst v63  }
0xeb: {  	_ =	swait.ge [sflag:s3], $0x8000  }
0xec: {  	[sflag:s3] =	ssyncset.done $0x0  }
0xed: {  	[sflag:s3] =	ssyncadd.s32 $0xFFFF8000  }
0xee: {  	[tilespmem:s6], [sflag:$0x1] =	stream.indirect.gather [hbm4b:s5+s8], $0x40, s11, s8, $0xb8;
	[tilespmem:$0x13400] =	vst v63  }
0xef: {  	_ =	swait.ge [sflag:s7], $0x8000  }
0xf0: {  	[sflag:s7] =	ssyncset.done $0x0  }
0xf1: {  	s0 =	rddreg [dreg:$0x1a];
	[sflag:s7] =	ssyncadd.s32 $0xFFFF8000  }
0xf2: {  	[hbm4b:s0+s2] =	stream.linear.scatter [tilespmem:s4], [sflag:$0x3], $0x8000, $0x38;
	[tilespmem:$0x13400] =	vst v63  }
0xf3: {  	_ =	swait.ge [sflag:s3], $0x8000  }
0xf4: {  	[sflag:s3] =	ssyncset.done $0x0  }
0xf5: {  	[sflag:s3] =	ssyncadd.s32 $0xFFFF8000  }
0xf6: {  	[tilespmem:s4], [sflag:$0x2] =	stream.indirect.gather [hbm4b:s5+s8], $0x40, s10, s8, $0xb8;
	[tilespmem:$0x13400] =	vst v63  }
0xf7: {  	_ =	swait.ge [sflag:s9], $0x8000  }
0xf8: {  	[sflag:s9] =	ssyncset.done $0x0  }
0xf9: {  	s0 =	rddreg [dreg:$0x1b];
	[sflag:s9] =	ssyncadd.s32 $0xFFFF8000  }
0xfa: {  	[hbm4b:s0+s2] =	stream.linear.scatter [tilespmem:s6], [sflag:$0x3], $0x8000, $0x38;
	[tilespmem:$0x13400] =	vst v63  }
0xfb: {  	_ =	swait.ge [sflag:s3], $0x8000  }
0xfc: {  	[sflag:s3] =	ssyncset.done $0x0  }
0xfd: {  	[sflag:s3] =	ssyncadd.s32 $0xFFFF8000  }
0xfe: {  	p1 =	sne.s32 s1, $0x1;
	_ =	swait.ge [sflag:s7], $0x8000  }
.Ltmp1:
0xff: {  	[sflag:s7] =	ssyncset.done $0x0;
	(pc) =	sbr.rel @!p1 .LBB2_3-.Ltmp1, $4  }
0x100: {  	s0 =	rddreg [dreg:$0x1c];
	[sflag:s7] =	ssyncadd.s32 $0xFFFF8000  }
0x101: {  	[hbm4b:s0+s2] =	stream.linear.scatter [tilespmem:s4], [sflag:$0x3], $0x8000, $0x38;
	[tilespmem:$0x13400] =	vst v63  }
0x102: {  	s1 =	sadd.s32 $0xFFFFFFFF, s1;
	_ =	swait.ge [sflag:s3], $0x8000  }
0x103: {  	p0 =	por $0x1, $0x1;
	s0 =	rddreg [dreg:$0x3];
	[sflag:s3] =	ssyncset.done $0x0  }
.LBB2_2:
0x104: {  	[sflag:s3] =	ssyncadd.s32 $0xFFFF8000  }
0x105: {  	[tilespmem:s2], [sflag:$0x3] =	stream.linear.gather [hbm4b:s0+s2], $0x3400, $0x38;
	[tilespmem:$0x13400] =	vst v63  }
0x106: {  	_ =	swait.ge [sflag:s3], $0x3400  }
0x107: {  	[sflag:s3] =	ssyncset.done $0x0  }
0x108: {  	[sflag:s3] =	ssyncadd.s32 $0xFFFFCC00  }
0x109: {  	[tilespmem:s6], [sflag:$0x1] =	stream.indirect.gather [hbm4b:s5+s8], $0x40, s2, s8, $0xb8;
	[tilespmem:$0x13400] =	vst v63  }
0x10a: {  	_ = 	snop  }
0x10b: {  	[tilespmem:s4], [sflag:$0x2] =	stream.indirect.gather [hbm4b:s5+s8], $0x40, s8, s8, $0xb8;
	[tilespmem:$0x13400] =	vst v63  }
0x10c: {  	_ =	swait.ge [sflag:s9], $0x8000  }
0x10d: {  	[sflag:s9] =	ssyncset.done $0x0  }
0x10e: {  	[sflag:s9] =	ssyncadd.s32 $0xFFFF8000  }
0x10f: {  	[hbm4b:s26+s2] =	stream.linear.scatter [tilespmem:s6], [sflag:$0x3], $0x8000, $0x38;
	[tilespmem:$0x13400] =	vst v63  }
0x110: {  	_ =	swait.ge [sflag:s3], $0x8000  }
0x111: {  	[sflag:s3] =	ssyncset.done $0x0  }
0x112: {  	s0 =	rddreg [dreg:$0x1d];
	[sflag:s3] =	ssyncadd.s32 $0xFFFF8000  }
0x113: {  	[tilespmem:s6], [sflag:$0x1] =	stream.indirect.gather [hbm4b:s5+s8], $0x40, s0, s8, $0xb8;
	[tilespmem:$0x13400] =	vst v63  }
0x114: {  	_ =	swait.ge [sflag:s7], $0x8000  }
0x115: {  	[sflag:s7] =	ssyncset.done $0x0  }
0x116: {  	s0 =	rddreg [dreg:$0x4];
	[sflag:s7] =	ssyncadd.s32 $0xFFFF8000  }
0x117: {  	[hbm4b:s0+s2] =	stream.linear.scatter [tilespmem:s4], [sflag:$0x3], $0x8000, $0x38;
	[tilespmem:$0x13400] =	vst v63  }
0x118: {  	_ =	swait.ge [sflag:s3], $0x8000  }
0x119: {  	[sflag:s3] =	ssyncset.done $0x0  }
0x11a: {  	s0 =	rddreg [dreg:$0x1e];
	[sflag:s3] =	ssyncadd.s32 $0xFFFF8000  }
0x11b: {  	[tilespmem:s4], [sflag:$0x2] =	stream.indirect.gather [hbm4b:s5+s8], $0x40, s0, s8, $0xb8;
	[tilespmem:$0x13400] =	vst v63  }
0x11c: {  	_ =	swait.ge [sflag:s9], $0x8000  }
0x11d: {  	[sflag:s9] =	ssyncset.done $0x0  }
0x11e: {  	s0 =	rddreg [dreg:$0x5];
	[sflag:s9] =	ssyncadd.s32 $0xFFFF8000  }
0x11f: {  	[hbm4b:s0+s2] =	stream.linear.scatter [tilespmem:s6], [sflag:$0x3], $0x8000, $0x38;
	[tilespmem:$0x13400] =	vst v63  }
0x120: {  	_ =	swait.ge [sflag:s3], $0x8000  }
0x121: {  	[sflag:s3] =	ssyncset.done $0x0  }
0x122: {  	s0 =	rddreg [dreg:$0x1f];
	[sflag:s3] =	ssyncadd.s32 $0xFFFF8000  }
0x123: {  	[tilespmem:s6], [sflag:$0x1] =	stream.indirect.gather [hbm4b:s5+s8], $0x40, s0, s8, $0xb8;
	[tilespmem:$0x13400] =	vst v63  }
0x124: {  	_ =	swait.ge [sflag:s7], $0x8000  }
0x125: {  	[sflag:s7] =	ssyncset.done $0x0  }
0x126: {  	s0 =	rddreg [dreg:$0x6];
	[sflag:s7] =	ssyncadd.s32 $0xFFFF8000  }
0x127: {  	[hbm4b:s0+s2] =	stream.linear.scatter [tilespmem:s4], [sflag:$0x3], $0x8000, $0x38;
	[tilespmem:$0x13400] =	vst v63  }
0x128: {  	_ =	swait.ge [sflag:s3], $0x8000  }
0x129: {  	s0 =	sld [smem:$0x7FD]  }
0x12a: {  	[sflag:s3] =	ssyncset.done $0x0  }
0x12b: {  	[sflag:s3] =	ssyncadd.s32 $0xFFFF8000  }
0x12c: {  	[tilespmem:s4], [sflag:$0x2] =	stream.indirect.gather [hbm4b:s5+s8], $0x40, s0, s8, $0xb8;
	[tilespmem:$0x13400] =	vst v63  }
0x12d: {  	_ =	swait.ge [sflag:s9], $0x8000  }
0x12e: {  	[sflag:s9] =	ssyncset.done $0x0  }
0x12f: {  	s0 =	rddreg [dreg:$0x7];
	[sflag:s9] =	ssyncadd.s32 $0xFFFF8000  }
0x130: {  	[hbm4b:s0+s2] =	stream.linear.scatter [tilespmem:s6], [sflag:$0x3], $0x8000, $0x38;
	[tilespmem:$0x13400] =	vst v63  }
0x131: {  	_ =	swait.ge [sflag:s3], $0x8000  }
0x132: {  	[sflag:s3] =	ssyncset.done $0x0  }
0x133: {  	[sflag:s3] =	ssyncadd.s32 $0xFFFF8000  }
0x134: {  	[tilespmem:s6], [sflag:$0x1] =	stream.indirect.gather [hbm4b:s5+s8], $0x40, s31, s8, $0xb8;
	[tilespmem:$0x13400] =	vst v63  }
0x135: {  	_ =	swait.ge [sflag:s7], $0x8000  }
0x136: {  	[sflag:s7] =	ssyncset.done $0x0  }
0x137: {  	s0 =	rddreg [dreg:$0x8];
	[sflag:s7] =	ssyncadd.s32 $0xFFFF8000  }
0x138: {  	[hbm4b:s0+s2] =	stream.linear.scatter [tilespmem:s4], [sflag:$0x3], $0x8000, $0x38;
	[tilespmem:$0x13400] =	vst v63  }
0x139: {  	_ =	swait.ge [sflag:s3], $0x8000  }
0x13a: {  	[sflag:s3] =	ssyncset.done $0x0  }
0x13b: {  	[sflag:s3] =	ssyncadd.s32 $0xFFFF8000  }
0x13c: {  	[tilespmem:s4], [sflag:$0x2] =	stream.indirect.gather [hbm4b:s5+s8], $0x40, s30, s8, $0xb8;
	[tilespmem:$0x13400] =	vst v63  }
0x13d: {  	_ =	swait.ge [sflag:s9], $0x8000  }
0x13e: {  	[sflag:s9] =	ssyncset.done $0x0  }
0x13f: {  	s0 =	rddreg [dreg:$0x9];
	[sflag:s9] =	ssyncadd.s32 $0xFFFF8000  }
0x140: {  	[hbm4b:s0+s2] =	stream.linear.scatter [tilespmem:s6], [sflag:$0x3], $0x8000, $0x38;
	[tilespmem:$0x13400] =	vst v63  }
0x141: {  	_ =	swait.ge [sflag:s3], $0x8000  }
0x142: {  	[sflag:s3] =	ssyncset.done $0x0  }
0x143: {  	[sflag:s3] =	ssyncadd.s32 $0xFFFF8000  }
0x144: {  	[tilespmem:s6], [sflag:$0x1] =	stream.indirect.gather [hbm4b:s5+s8], $0x40, s29, s8, $0xb8;
	[tilespmem:$0x13400] =	vst v63  }
0x145: {  	_ =	swait.ge [sflag:s7], $0x8000  }
0x146: {  	[sflag:s7] =	ssyncset.done $0x0  }
0x147: {  	s0 =	rddreg [dreg:$0xa];
	[sflag:s7] =	ssyncadd.s32 $0xFFFF8000  }
0x148: {  	[hbm4b:s0+s2] =	stream.linear.scatter [tilespmem:s4], [sflag:$0x3], $0x8000, $0x38;
	[tilespmem:$0x13400] =	vst v63  }
0x149: {  	_ =	swait.ge [sflag:s3], $0x8000  }
0x14a: {  	[sflag:s3] =	ssyncset.done $0x0  }
0x14b: {  	[sflag:s3] =	ssyncadd.s32 $0xFFFF8000  }
0x14c: {  	[tilespmem:s4], [sflag:$0x2] =	stream.indirect.gather [hbm4b:s5+s8], $0x40, s28, s8, $0xb8;
	[tilespmem:$0x13400] =	vst v63  }
0x14d: {  	_ =	swait.ge [sflag:s9], $0x8000  }
0x14e: {  	[sflag:s9] =	ssyncset.done $0x0  }
0x14f: {  	s0 =	rddreg [dreg:$0xb];
	[sflag:s9] =	ssyncadd.s32 $0xFFFF8000  }
0x150: {  	[hbm4b:s0+s2] =	stream.linear.scatter [tilespmem:s6], [sflag:$0x3], $0x8000, $0x38;
	[tilespmem:$0x13400] =	vst v63  }
0x151: {  	_ =	swait.ge [sflag:s3], $0x8000  }
0x152: {  	[sflag:s3] =	ssyncset.done $0x0  }
0x153: {  	[sflag:s3] =	ssyncadd.s32 $0xFFFF8000  }
0x154: {  	[tilespmem:s6], [sflag:$0x1] =	stream.indirect.gather [hbm4b:s5+s8], $0x40, s25, s8, $0xb8;
	[tilespmem:$0x13400] =	vst v63  }
0x155: {  	_ =	swait.ge [sflag:s7], $0x8000  }
0x156: {  	[sflag:s7] =	ssyncset.done $0x0  }
0x157: {  	s0 =	rddreg [dreg:$0xc];
	[sflag:s7] =	ssyncadd.s32 $0xFFFF8000  }
0x158: {  	[hbm4b:s0+s2] =	stream.linear.scatter [tilespmem:s4], [sflag:$0x3], $0x8000, $0x38;
	[tilespmem:$0x13400] =	vst v63  }
0x159: {  	_ =	swait.ge [sflag:s3], $0x8000  }
0x15a: {  	[sflag:s3] =	ssyncset.done $0x0  }
0x15b: {  	[sflag:s3] =	ssyncadd.s32 $0xFFFF8000  }
0x15c: {  	[tilespmem:s4], [sflag:$0x2] =	stream.indirect.gather [hbm4b:s5+s8], $0x40, s24, s8, $0xb8;
	[tilespmem:$0x13400] =	vst v63  }
0x15d: {  	_ =	swait.ge [sflag:s9], $0x8000  }
0x15e: {  	[sflag:s9] =	ssyncset.done $0x0  }
0x15f: {  	s0 =	rddreg [dreg:$0xd];
	[sflag:s9] =	ssyncadd.s32 $0xFFFF8000  }
0x160: {  	[hbm4b:s0+s2] =	stream.linear.scatter [tilespmem:s6], [sflag:$0x3], $0x8000, $0x38;
	[tilespmem:$0x13400] =	vst v63  }
0x161: {  	_ =	swait.ge [sflag:s3], $0x8000  }
0x162: {  	[sflag:s3] =	ssyncset.done $0x0  }
0x163: {  	[sflag:s3] =	ssyncadd.s32 $0xFFFF8000  }
0x164: {  	[tilespmem:s6], [sflag:$0x1] =	stream.indirect.gather [hbm4b:s5+s8], $0x40, s23, s8, $0xb8;
	[tilespmem:$0x13400] =	vst v63  }
0x165: {  	_ =	swait.ge [sflag:s7], $0x8000  }
0x166: {  	[sflag:s7] =	ssyncset.done $0x0  }
0x167: {  	s0 =	rddreg [dreg:$0xe];
	[sflag:s7] =	ssyncadd.s32 $0xFFFF8000  }
0x168: {  	[hbm4b:s0+s2] =	stream.linear.scatter [tilespmem:s4], [sflag:$0x3], $0x8000, $0x38;
	[tilespmem:$0x13400] =	vst v63  }
0x169: {  	_ =	swait.ge [sflag:s3], $0x8000  }
0x16a: {  	[sflag:s3] =	ssyncset.done $0x0  }
0x16b: {  	[sflag:s3] =	ssyncadd.s32 $0xFFFF8000  }
0x16c: {  	[tilespmem:s4], [sflag:$0x2] =	stream.indirect.gather [hbm4b:s5+s8], $0x40, s22, s8, $0xb8;
	[tilespmem:$0x13400] =	vst v63  }
0x16d: {  	_ =	swait.ge [sflag:s9], $0x8000  }
0x16e: {  	[sflag:s9] =	ssyncset.done $0x0  }
0x16f: {  	s0 =	rddreg [dreg:$0xf];
	[sflag:s9] =	ssyncadd.s32 $0xFFFF8000  }
0x170: {  	[hbm4b:s0+s2] =	stream.linear.scatter [tilespmem:s6], [sflag:$0x3], $0x8000, $0x38;
	[tilespmem:$0x13400] =	vst v63  }
0x171: {  	_ =	swait.ge [sflag:s3], $0x8000  }
0x172: {  	[sflag:s3] =	ssyncset.done $0x0  }
0x173: {  	[sflag:s3] =	ssyncadd.s32 $0xFFFF8000  }
0x174: {  	[tilespmem:s6], [sflag:$0x1] =	stream.indirect.gather [hbm4b:s5+s8], $0x40, s21, s8, $0xb8;
	[tilespmem:$0x13400] =	vst v63  }
0x175: {  	_ =	swait.ge [sflag:s7], $0x8000  }
0x176: {  	[sflag:s7] =	ssyncset.done $0x0  }
0x177: {  	s0 =	rddreg [dreg:$0x10];
	[sflag:s7] =	ssyncadd.s32 $0xFFFF8000  }
0x178: {  	[hbm4b:s0+s2] =	stream.linear.scatter [tilespmem:s4], [sflag:$0x3], $0x8000, $0x38;
	[tilespmem:$0x13400] =	vst v63  }
0x179: {  	_ =	swait.ge [sflag:s3], $0x8000  }
0x17a: {  	[sflag:s3] =	ssyncset.done $0x0  }
0x17b: {  	[sflag:s3] =	ssyncadd.s32 $0xFFFF8000  }
0x17c: {  	[tilespmem:s4], [sflag:$0x2] =	stream.indirect.gather [hbm4b:s5+s8], $0x40, s20, s8, $0xb8;
	[tilespmem:$0x13400] =	vst v63  }
0x17d: {  	_ =	swait.ge [sflag:s9], $0x8000  }
0x17e: {  	[sflag:s9] =	ssyncset.done $0x0  }
0x17f: {  	s0 =	rddreg [dreg:$0x11];
	[sflag:s9] =	ssyncadd.s32 $0xFFFF8000  }
0x180: {  	[hbm4b:s0+s2] =	stream.linear.scatter [tilespmem:s6], [sflag:$0x3], $0x8000, $0x38;
	[tilespmem:$0x13400] =	vst v63  }
0x181: {  	_ =	swait.ge [sflag:s3], $0x8000  }
0x182: {  	[sflag:s3] =	ssyncset.done $0x0  }
0x183: {  	[sflag:s3] =	ssyncadd.s32 $0xFFFF8000  }
0x184: {  	[tilespmem:s6], [sflag:$0x1] =	stream.indirect.gather [hbm4b:s5+s8], $0x40, s19, s8, $0xb8;
	[tilespmem:$0x13400] =	vst v63  }
0x185: {  	_ =	swait.ge [sflag:s7], $0x8000  }
0x186: {  	[sflag:s7] =	ssyncset.done $0x0  }
0x187: {  	s0 =	rddreg [dreg:$0x12];
	[sflag:s7] =	ssyncadd.s32 $0xFFFF8000  }
0x188: {  	[hbm4b:s0+s2] =	stream.linear.scatter [tilespmem:s4], [sflag:$0x3], $0x8000, $0x38;
	[tilespmem:$0x13400] =	vst v63  }
0x189: {  	_ =	swait.ge [sflag:s3], $0x8000  }
0x18a: {  	[sflag:s3] =	ssyncset.done $0x0  }
0x18b: {  	[sflag:s3] =	ssyncadd.s32 $0xFFFF8000  }
0x18c: {  	[tilespmem:s4], [sflag:$0x2] =	stream.indirect.gather [hbm4b:s5+s8], $0x40, s18, s8, $0xb8;
	[tilespmem:$0x13400] =	vst v63  }
0x18d: {  	_ =	swait.ge [sflag:s9], $0x8000  }
0x18e: {  	[sflag:s9] =	ssyncset.done $0x0  }
0x18f: {  	s0 =	rddreg [dreg:$0x13];
	[sflag:s9] =	ssyncadd.s32 $0xFFFF8000  }
0x190: {  	[hbm4b:s0+s2] =	stream.linear.scatter [tilespmem:s6], [sflag:$0x3], $0x8000, $0x38;
	[tilespmem:$0x13400] =	vst v63  }
0x191: {  	_ =	swait.ge [sflag:s3], $0x8000  }
0x192: {  	[sflag:s3] =	ssyncset.done $0x0  }
0x193: {  	[sflag:s3] =	ssyncadd.s32 $0xFFFF8000  }
0x194: {  	[tilespmem:s6], [sflag:$0x1] =	stream.indirect.gather [hbm4b:s5+s8], $0x40, s17, s8, $0xb8;
	[tilespmem:$0x13400] =	vst v63  }
0x195: {  	_ =	swait.ge [sflag:s7], $0x8000  }
0x196: {  	[sflag:s7] =	ssyncset.done $0x0  }
0x197: {  	s0 =	rddreg [dreg:$0x14];
	[sflag:s7] =	ssyncadd.s32 $0xFFFF8000  }
0x198: {  	[hbm4b:s0+s2] =	stream.linear.scatter [tilespmem:s4], [sflag:$0x3], $0x8000, $0x38;
	[tilespmem:$0x13400] =	vst v63  }
0x199: {  	_ =	swait.ge [sflag:s3], $0x8000  }
0x19a: {  	[sflag:s3] =	ssyncset.done $0x0  }
0x19b: {  	[sflag:s3] =	ssyncadd.s32 $0xFFFF8000  }
0x19c: {  	[tilespmem:s4], [sflag:$0x2] =	stream.indirect.gather [hbm4b:s5+s8], $0x40, s16, s8, $0xb8;
	[tilespmem:$0x13400] =	vst v63  }
0x19d: {  	_ =	swait.ge [sflag:s9], $0x8000  }
0x19e: {  	[sflag:s9] =	ssyncset.done $0x0  }
0x19f: {  	s0 =	rddreg [dreg:$0x15];
	[sflag:s9] =	ssyncadd.s32 $0xFFFF8000  }
0x1a0: {  	[hbm4b:s0+s2] =	stream.linear.scatter [tilespmem:s6], [sflag:$0x3], $0x8000, $0x38;
	[tilespmem:$0x13400] =	vst v63  }
0x1a1: {  	_ =	swait.ge [sflag:s3], $0x8000  }
0x1a2: {  	[sflag:s3] =	ssyncset.done $0x0  }
0x1a3: {  	[sflag:s3] =	ssyncadd.s32 $0xFFFF8000  }
0x1a4: {  	[tilespmem:s6], [sflag:$0x1] =	stream.indirect.gather [hbm4b:s5+s8], $0x40, s15, s8, $0xb8;
	[tilespmem:$0x13400] =	vst v63  }
0x1a5: {  	_ =	swait.ge [sflag:s7], $0x8000  }
0x1a6: {  	[sflag:s7] =	ssyncset.done $0x0  }
0x1a7: {  	s0 =	rddreg [dreg:$0x16];
	[sflag:s7] =	ssyncadd.s32 $0xFFFF8000  }
0x1a8: {  	[hbm4b:s0+s2] =	stream.linear.scatter [tilespmem:s4], [sflag:$0x3], $0x8000, $0x38;
	[tilespmem:$0x13400] =	vst v63  }
0x1a9: {  	_ =	swait.ge [sflag:s3], $0x8000  }
0x1aa: {  	[sflag:s3] =	ssyncset.done $0x0  }
0x1ab: {  	[sflag:s3] =	ssyncadd.s32 $0xFFFF8000  }
0x1ac: {  	[tilespmem:s4], [sflag:$0x2] =	stream.indirect.gather [hbm4b:s5+s8], $0x40, s14, s8, $0xb8;
	[tilespmem:$0x13400] =	vst v63  }
0x1ad: {  	_ =	swait.ge [sflag:s9], $0x8000  }
0x1ae: {  	[sflag:s9] =	ssyncset.done $0x0  }
0x1af: {  	s0 =	rddreg [dreg:$0x17];
	[sflag:s9] =	ssyncadd.s32 $0xFFFF8000  }
0x1b0: {  	[hbm4b:s0+s2] =	stream.linear.scatter [tilespmem:s6], [sflag:$0x3], $0x8000, $0x38;
	[tilespmem:$0x13400] =	vst v63  }
0x1b1: {  	_ =	swait.ge [sflag:s3], $0x8000  }
0x1b2: {  	[sflag:s3] =	ssyncset.done $0x0  }
0x1b3: {  	[sflag:s3] =	ssyncadd.s32 $0xFFFF8000  }
0x1b4: {  	[tilespmem:s6], [sflag:$0x1] =	stream.indirect.gather [hbm4b:s5+s8], $0x40, s13, s8, $0xb8;
	[tilespmem:$0x13400] =	vst v63  }
0x1b5: {  	_ =	swait.ge [sflag:s7], $0x8000  }
0x1b6: {  	[sflag:s7] =	ssyncset.done $0x0  }
0x1b7: {  	s0 =	rddreg [dreg:$0x18];
	[sflag:s7] =	ssyncadd.s32 $0xFFFF8000  }
0x1b8: {  	[hbm4b:s0+s2] =	stream.linear.scatter [tilespmem:s4], [sflag:$0x3], $0x8000, $0x38;
	[tilespmem:$0x13400] =	vst v63  }
0x1b9: {  	_ =	swait.ge [sflag:s3], $0x8000  }
0x1ba: {  	[sflag:s3] =	ssyncset.done $0x0  }
0x1bb: {  	[sflag:s3] =	ssyncadd.s32 $0xFFFF8000  }
0x1bc: {  	[tilespmem:s4], [sflag:$0x2] =	stream.indirect.gather [hbm4b:s5+s8], $0x40, s12, s8, $0xb8;
	[tilespmem:$0x13400] =	vst v63  }
0x1bd: {  	_ =	swait.ge [sflag:s9], $0x8000  }
0x1be: {  	[sflag:s9] =	ssyncset.done $0x0  }
0x1bf: {  	s0 =	rddreg [dreg:$0x19];
	[sflag:s9] =	ssyncadd.s32 $0xFFFF8000  }
0x1c0: {  	[hbm4b:s0+s2] =	stream.linear.scatter [tilespmem:s6], [sflag:$0x3], $0x8000, $0x38;
	[tilespmem:$0x13400] =	vst v63  }
0x1c1: {  	_ =	swait.ge [sflag:s3], $0x8000  }
0x1c2: {  	[sflag:s3] =	ssyncset.done $0x0  }
0x1c3: {  	[sflag:s3] =	ssyncadd.s32 $0xFFFF8000  }
0x1c4: {  	[tilespmem:s6], [sflag:$0x1] =	stream.indirect.gather [hbm4b:s5+s8], $0x40, s11, s8, $0xb8;
	[tilespmem:$0x13400] =	vst v63  }
0x1c5: {  	_ =	swait.ge [sflag:s7], $0x8000  }
0x1c6: {  	[sflag:s7] =	ssyncset.done $0x0  }
0x1c7: {  	s0 =	rddreg [dreg:$0x1a];
	[sflag:s7] =	ssyncadd.s32 $0xFFFF8000  }
0x1c8: {  	[hbm4b:s0+s2] =	stream.linear.scatter [tilespmem:s4], [sflag:$0x3], $0x8000, $0x38;
	[tilespmem:$0x13400] =	vst v63  }
0x1c9: {  	_ =	swait.ge [sflag:s3], $0x8000  }
0x1ca: {  	[sflag:s3] =	ssyncset.done $0x0  }
0x1cb: {  	[sflag:s3] =	ssyncadd.s32 $0xFFFF8000  }
0x1cc: {  	[tilespmem:s4], [sflag:$0x2] =	stream.indirect.gather [hbm4b:s5+s8], $0x40, s10, s8, $0xb8;
	[tilespmem:$0x13400] =	vst v63  }
0x1cd: {  	_ =	swait.ge [sflag:s9], $0x8000  }
0x1ce: {  	[sflag:s9] =	ssyncset.done $0x0  }
0x1cf: {  	s0 =	rddreg [dreg:$0x1b];
	[sflag:s9] =	ssyncadd.s32 $0xFFFF8000  }
0x1d0: {  	[hbm4b:s0+s2] =	stream.linear.scatter [tilespmem:s6], [sflag:$0x3], $0x8000, $0x38;
	[tilespmem:$0x13400] =	vst v63  }
0x1d1: {  	_ =	swait.ge [sflag:s3], $0x8000  }
0x1d2: {  	[sflag:s3] =	ssyncset.done $0x0  }
0x1d3: {  	[sflag:s3] =	ssyncadd.s32 $0xFFFF8000  }
0x1d4: {  	p1 =	sne.s32 s1, $0x1;
	_ =	swait.ge [sflag:s7], $0x8000  }
.Ltmp2:
0x1d5: {  	[sflag:s7] =	ssyncset.done $0x0;
	(pc) =	sbr.rel @p1 .LBB2_2-.Ltmp2, $4  }
0x1d6: {  	s0 =	rddreg [dreg:$0x1c];
	[sflag:s7] =	ssyncadd.s32 $0xFFFF8000  }
0x1d7: {  	[hbm4b:s0+s2] =	stream.linear.scatter [tilespmem:s4], [sflag:$0x3], $0x8000, $0x38;
	[tilespmem:$0x13400] =	vst v63  }
0x1d8: {  	_ =	swait.ge [sflag:s3], $0x8000  }
0x1d9: {  	s1 =	sadd.s32 $0xFFFFFFFF, s1;
	s0 =	rddreg [dreg:$0x3];
	[sflag:s3] =	ssyncset.done $0x0  }
.LBB2_3:
0x1da: {  	[sflag:s3] =	ssyncadd.s32 @p0 $0xFFFF8000  }
0x1db: {  	[tilespmem:s2], [sflag:$0x3] =	stream.linear.gather [hbm4b:s0+s2], $0x3400, $0x38;
	[tilespmem:$0x13400] =	vst v63  }
0x1dc: {  	_ =	swait.ge [sflag:s3], $0x3400  }
0x1dd: {  	[sflag:s3] =	ssyncset.done $0x0  }
0x1de: {  	[sflag:s3] =	ssyncadd.s32 $0xFFFFCC00  }
0x1df: {  	[tilespmem:s6], [sflag:$0x1] =	stream.indirect.gather [hbm4b:s5+s8], $0x40, s2, s8, $0xb8;
	[tilespmem:$0x13400] =	vst v63  }
0x1e0: {  	_ = 	snop  }
0x1e1: {  	[tilespmem:s4], [sflag:$0x2] =	stream.indirect.gather [hbm4b:s5+s8], $0x40, s8, s8, $0xb8;
	[tilespmem:$0x13400] =	vst v63  }
0x1e2: {  	_ =	swait.ge [sflag:s9], $0x8000  }
0x1e3: {  	[sflag:s9] =	ssyncset.done $0x0  }
0x1e4: {  	[sflag:s9] =	ssyncadd.s32 $0xFFFF8000  }
0x1e5: {  	[hbm4b:s26+s2] =	stream.linear.scatter [tilespmem:s6], [sflag:$0x3], $0x8000, $0x38;
	[tilespmem:$0x13400] =	vst v63  }
0x1e6: {  	_ =	swait.ge [sflag:s3], $0x8000  }
0x1e7: {  	[sflag:s3] =	ssyncset.done $0x0  }
0x1e8: {  	s26 =	rddreg [dreg:$0x1d];
	[sflag:s3] =	ssyncadd.s32 $0xFFFF8000  }
0x1e9: {  	[tilespmem:s6], [sflag:$0x1] =	stream.indirect.gather [hbm4b:s5+s8], $0x40, s26, s8, $0xb8;
	[tilespmem:$0x13400] =	vst v63  }
0x1ea: {  	_ =	swait.ge [sflag:s7], $0x8000  }
0x1eb: {  	[sflag:s7] =	ssyncset.done $0x0  }
0x1ec: {  	s1 =	rddreg [dreg:$0x4];
	[sflag:s7] =	ssyncadd.s32 $0xFFFF8000  }
0x1ed: {  	[hbm4b:s1+s2] =	stream.linear.scatter [tilespmem:s4], [sflag:$0x3], $0x8000, $0x38;
	[tilespmem:$0x13400] =	vst v63  }
0x1ee: {  	_ =	swait.ge [sflag:s3], $0x8000  }
0x1ef: {  	[sflag:s3] =	ssyncset.done $0x0  }
0x1f0: {  	s26 =	rddreg [dreg:$0x1e];
	[sflag:s3] =	ssyncadd.s32 $0xFFFF8000  }
0x1f1: {  	[tilespmem:s4], [sflag:$0x2] =	stream.indirect.gather [hbm4b:s5+s8], $0x40, s26, s8, $0xb8;
	[tilespmem:$0x13400] =	vst v63  }
0x1f2: {  	_ =	swait.ge [sflag:s9], $0x8000  }
0x1f3: {  	[sflag:s9] =	ssyncset.done $0x0  }
0x1f4: {  	s1 =	rddreg [dreg:$0x5];
	[sflag:s9] =	ssyncadd.s32 $0xFFFF8000  }
0x1f5: {  	[hbm4b:s1+s2] =	stream.linear.scatter [tilespmem:s6], [sflag:$0x3], $0x8000, $0x38;
	[tilespmem:$0x13400] =	vst v63  }
0x1f6: {  	_ =	swait.ge [sflag:s3], $0x8000  }
0x1f7: {  	[sflag:s3] =	ssyncset.done $0x0  }
0x1f8: {  	s26 =	rddreg [dreg:$0x1f];
	[sflag:s3] =	ssyncadd.s32 $0xFFFF8000  }
0x1f9: {  	[tilespmem:s6], [sflag:$0x1] =	stream.indirect.gather [hbm4b:s5+s8], $0x40, s26, s8, $0xb8;
	[tilespmem:$0x13400] =	vst v63  }
0x1fa: {  	_ =	swait.ge [sflag:s7], $0x8000  }
0x1fb: {  	[sflag:s7] =	ssyncset.done $0x0  }
0x1fc: {  	s1 =	rddreg [dreg:$0x6];
	[sflag:s7] =	ssyncadd.s32 $0xFFFF8000  }
0x1fd: {  	[hbm4b:s1+s2] =	stream.linear.scatter [tilespmem:s4], [sflag:$0x3], $0x8000, $0x38;
	[tilespmem:$0x13400] =	vst v63  }
0x1fe: {  	_ =	swait.ge [sflag:s3], $0x8000  }
0x1ff: {  	s26 =	sld [smem:$0x7FD]  }
0x200: {  	[sflag:s3] =	ssyncset.done $0x0  }
0x201: {  	[sflag:s3] =	ssyncadd.s32 $0xFFFF8000  }
0x202: {  	[tilespmem:s4], [sflag:$0x2] =	stream.indirect.gather [hbm4b:s5+s8], $0x40, s26, s8, $0xb8;
	[tilespmem:$0x13400] =	vst v63  }
0x203: {  	_ =	swait.ge [sflag:s9], $0x8000  }
0x204: {  	[sflag:s9] =	ssyncset.done $0x0  }
0x205: {  	s1 =	rddreg [dreg:$0x7];
	[sflag:s9] =	ssyncadd.s32 $0xFFFF8000  }
0x206: {  	[hbm4b:s1+s2] =	stream.linear.scatter [tilespmem:s6], [sflag:$0x3], $0x8000, $0x38;
	[tilespmem:$0x13400] =	vst v63  }
0x207: {  	_ =	swait.ge [sflag:s3], $0x8000  }
0x208: {  	[sflag:s3] =	ssyncset.done $0x0  }
0x209: {  	[sflag:s3] =	ssyncadd.s32 $0xFFFF8000  }
0x20a: {  	[tilespmem:s6], [sflag:$0x1] =	stream.indirect.gather [hbm4b:s5+s8], $0x40, s31, s8, $0xb8;
	[tilespmem:$0x13400] =	vst v63  }
0x20b: {  	_ =	swait.ge [sflag:s7], $0x8000  }
0x20c: {  	[sflag:s7] =	ssyncset.done $0x0  }
0x20d: {  	s26 =	rddreg [dreg:$0x8];
	[sflag:s7] =	ssyncadd.s32 $0xFFFF8000  }
0x20e: {  	[hbm4b:s26+s2] =	stream.linear.scatter [tilespmem:s4], [sflag:$0x3], $0x8000, $0x38;
	[tilespmem:$0x13400] =	vst v63  }
0x20f: {  	_ =	swait.ge [sflag:s3], $0x8000  }
0x210: {  	[sflag:s3] =	ssyncset.done $0x0  }
0x211: {  	[sflag:s3] =	ssyncadd.s32 $0xFFFF8000  }
0x212: {  	[tilespmem:s4], [sflag:$0x2] =	stream.indirect.gather [hbm4b:s5+s8], $0x40, s30, s8, $0xb8;
	[tilespmem:$0x13400] =	vst v63  }
0x213: {  	_ =	swait.ge [sflag:s9], $0x8000  }
0x214: {  	[sflag:s9] =	ssyncset.done $0x0  }
0x215: {  	s30 =	rddreg [dreg:$0x9];
	[sflag:s9] =	ssyncadd.s32 $0xFFFF8000  }
0x216: {  	[hbm4b:s30+s2] =	stream.linear.scatter [tilespmem:s6], [sflag:$0x3], $0x8000, $0x38;
	[tilespmem:$0x13400] =	vst v63  }
0x217: {  	_ =	swait.ge [sflag:s3], $0x8000  }
0x218: {  	[sflag:s3] =	ssyncset.done $0x0  }
0x219: {  	[sflag:s3] =	ssyncadd.s32 $0xFFFF8000  }
0x21a: {  	[tilespmem:s6], [sflag:$0x1] =	stream.indirect.gather [hbm4b:s5+s8], $0x40, s29, s8, $0xb8;
	[tilespmem:$0x13400] =	vst v63  }
0x21b: {  	_ =	swait.ge [sflag:s7], $0x8000  }
0x21c: {  	[sflag:s7] =	ssyncset.done $0x0  }
0x21d: {  	s31 =	rddreg [dreg:$0xa];
	[sflag:s7] =	ssyncadd.s32 $0xFFFF8000  }
0x21e: {  	[hbm4b:s31+s2] =	stream.linear.scatter [tilespmem:s4], [sflag:$0x3], $0x8000, $0x38;
	[tilespmem:$0x13400] =	vst v63  }
0x21f: {  	_ =	swait.ge [sflag:s3], $0x8000  }
0x220: {  	[sflag:s3] =	ssyncset.done $0x0  }
0x221: {  	[sflag:s3] =	ssyncadd.s32 $0xFFFF8000  }
0x222: {  	[tilespmem:s4], [sflag:$0x2] =	stream.indirect.gather [hbm4b:s5+s8], $0x40, s28, s8, $0xb8;
	[tilespmem:$0x13400] =	vst v63  }
0x223: {  	_ =	swait.ge [sflag:s9], $0x8000  }
0x224: {  	[sflag:s9] =	ssyncset.done $0x0  }
0x225: {  	s1 =	rddreg [dreg:$0xb];
	[sflag:s9] =	ssyncadd.s32 $0xFFFF8000  }
0x226: {  	[hbm4b:s1+s2] =	stream.linear.scatter [tilespmem:s6], [sflag:$0x3], $0x8000, $0x38;
	[tilespmem:$0x13400] =	vst v63  }
0x227: {  	_ =	swait.ge [sflag:s3], $0x8000  }
0x228: {  	[sflag:s3] =	ssyncset.done $0x0  }
0x229: {  	[sflag:s3] =	ssyncadd.s32 $0xFFFF8000  }
0x22a: {  	[tilespmem:s6], [sflag:$0x1] =	stream.indirect.gather [hbm4b:s5+s8], $0x40, s25, s8, $0xb8;
	[tilespmem:$0x13400] =	vst v63  }
0x22b: {  	_ =	swait.ge [sflag:s7], $0x8000  }
0x22c: {  	[sflag:s7] =	ssyncset.done $0x0  }
0x22d: {  	s26 =	rddreg [dreg:$0xc];
	[sflag:s7] =	ssyncadd.s32 $0xFFFF8000  }
0x22e: {  	[hbm4b:s26+s2] =	stream.linear.scatter [tilespmem:s4], [sflag:$0x3], $0x8000, $0x38;
	[tilespmem:$0x13400] =	vst v63  }
0x22f: {  	_ =	swait.ge [sflag:s3], $0x8000  }
0x230: {  	[sflag:s3] =	ssyncset.done $0x0  }
0x231: {  	[sflag:s3] =	ssyncadd.s32 $0xFFFF8000  }
0x232: {  	[tilespmem:s4], [sflag:$0x2] =	stream.indirect.gather [hbm4b:s5+s8], $0x40, s24, s8, $0xb8;
	[tilespmem:$0x13400] =	vst v63  }
0x233: {  	_ =	swait.ge [sflag:s9], $0x8000  }
0x234: {  	[sflag:s9] =	ssyncset.done $0x0  }
0x235: {  	s28 =	rddreg [dreg:$0xd];
	[sflag:s9] =	ssyncadd.s32 $0xFFFF8000  }
0x236: {  	[hbm4b:s28+s2] =	stream.linear.scatter [tilespmem:s6], [sflag:$0x3], $0x8000, $0x38;
	[tilespmem:$0x13400] =	vst v63  }
0x237: {  	_ =	swait.ge [sflag:s3], $0x8000  }
0x238: {  	[sflag:s3] =	ssyncset.done $0x0  }
0x239: {  	[sflag:s3] =	ssyncadd.s32 $0xFFFF8000  }
0x23a: {  	[tilespmem:s6], [sflag:$0x1] =	stream.indirect.gather [hbm4b:s5+s8], $0x40, s23, s8, $0xb8;
	[tilespmem:$0x13400] =	vst v63  }
0x23b: {  	_ =	swait.ge [sflag:s7], $0x8000  }
0x23c: {  	[sflag:s7] =	ssyncset.done $0x0  }
0x23d: {  	s29 =	rddreg [dreg:$0xe];
	[sflag:s7] =	ssyncadd.s32 $0xFFFF8000  }
0x23e: {  	[hbm4b:s29+s2] =	stream.linear.scatter [tilespmem:s4], [sflag:$0x3], $0x8000, $0x38;
	[tilespmem:$0x13400] =	vst v63  }
0x23f: {  	_ =	swait.ge [sflag:s3], $0x8000  }
0x240: {  	[sflag:s3] =	ssyncset.done $0x0  }
0x241: {  	[sflag:s3] =	ssyncadd.s32 $0xFFFF8000  }
0x242: {  	[tilespmem:s4], [sflag:$0x2] =	stream.indirect.gather [hbm4b:s5+s8], $0x40, s22, s8, $0xb8;
	[tilespmem:$0x13400] =	vst v63  }
0x243: {  	_ =	swait.ge [sflag:s9], $0x8000  }
0x244: {  	[sflag:s9] =	ssyncset.done $0x0  }
0x245: {  	s30 =	rddreg [dreg:$0xf];
	[sflag:s9] =	ssyncadd.s32 $0xFFFF8000  }
0x246: {  	[hbm4b:s30+s2] =	stream.linear.scatter [tilespmem:s6], [sflag:$0x3], $0x8000, $0x38;
	[tilespmem:$0x13400] =	vst v63  }
0x247: {  	_ =	swait.ge [sflag:s3], $0x8000  }
0x248: {  	[sflag:s3] =	ssyncset.done $0x0  }
0x249: {  	[sflag:s3] =	ssyncadd.s32 $0xFFFF8000  }
0x24a: {  	[tilespmem:s6], [sflag:$0x1] =	stream.indirect.gather [hbm4b:s5+s8], $0x40, s21, s8, $0xb8;
	[tilespmem:$0x13400] =	vst v63  }
0x24b: {  	_ =	swait.ge [sflag:s7], $0x8000  }
0x24c: {  	[sflag:s7] =	ssyncset.done $0x0  }
0x24d: {  	s31 =	rddreg [dreg:$0x10];
	[sflag:s7] =	ssyncadd.s32 $0xFFFF8000  }
0x24e: {  	[hbm4b:s31+s2] =	stream.linear.scatter [tilespmem:s4], [sflag:$0x3], $0x8000, $0x38;
	[tilespmem:$0x13400] =	vst v63  }
0x24f: {  	_ =	swait.ge [sflag:s3], $0x8000  }
0x250: {  	[sflag:s3] =	ssyncset.done $0x0  }
0x251: {  	[sflag:s3] =	ssyncadd.s32 $0xFFFF8000  }
0x252: {  	[tilespmem:s4], [sflag:$0x2] =	stream.indirect.gather [hbm4b:s5+s8], $0x40, s20, s8, $0xb8;
	[tilespmem:$0x13400] =	vst v63  }
0x253: {  	_ =	swait.ge [sflag:s9], $0x8000  }
0x254: {  	[sflag:s9] =	ssyncset.done $0x0  }
0x255: {  	s1 =	rddreg [dreg:$0x11];
	[sflag:s9] =	ssyncadd.s32 $0xFFFF8000  }
0x256: {  	[hbm4b:s1+s2] =	stream.linear.scatter [tilespmem:s6], [sflag:$0x3], $0x8000, $0x38;
	[tilespmem:$0x13400] =	vst v63  }
0x257: {  	_ =	swait.ge [sflag:s3], $0x8000  }
0x258: {  	[sflag:s3] =	ssyncset.done $0x0  }
0x259: {  	[sflag:s3] =	ssyncadd.s32 $0xFFFF8000  }
0x25a: {  	[tilespmem:s6], [sflag:$0x1] =	stream.indirect.gather [hbm4b:s5+s8], $0x40, s19, s8, $0xb8;
	[tilespmem:$0x13400] =	vst v63  }
0x25b: {  	_ =	swait.ge [sflag:s7], $0x8000  }
0x25c: {  	[sflag:s7] =	ssyncset.done $0x0  }
0x25d: {  	s19 =	rddreg [dreg:$0x12];
	[sflag:s7] =	ssyncadd.s32 $0xFFFF8000  }
0x25e: {  	[hbm4b:s19+s2] =	stream.linear.scatter [tilespmem:s4], [sflag:$0x3], $0x8000, $0x38;
	[tilespmem:$0x13400] =	vst v63  }
0x25f: {  	_ =	swait.ge [sflag:s3], $0x8000  }
0x260: {  	[sflag:s3] =	ssyncset.done $0x0  }
0x261: {  	[sflag:s3] =	ssyncadd.s32 $0xFFFF8000  }
0x262: {  	[tilespmem:s4], [sflag:$0x2] =	stream.indirect.gather [hbm4b:s5+s8], $0x40, s18, s8, $0xb8;
	[tilespmem:$0x13400] =	vst v63  }
0x263: {  	_ =	swait.ge [sflag:s9], $0x8000  }
0x264: {  	[sflag:s9] =	ssyncset.done $0x0  }
0x265: {  	s20 =	rddreg [dreg:$0x13];
	[sflag:s9] =	ssyncadd.s32 $0xFFFF8000  }
0x266: {  	[hbm4b:s20+s2] =	stream.linear.scatter [tilespmem:s6], [sflag:$0x3], $0x8000, $0x38;
	[tilespmem:$0x13400] =	vst v63  }
0x267: {  	_ =	swait.ge [sflag:s3], $0x8000  }
0x268: {  	[sflag:s3] =	ssyncset.done $0x0  }
0x269: {  	[sflag:s3] =	ssyncadd.s32 $0xFFFF8000  }
0x26a: {  	[tilespmem:s6], [sflag:$0x1] =	stream.indirect.gather [hbm4b:s5+s8], $0x40, s17, s8, $0xb8;
	[tilespmem:$0x13400] =	vst v63  }
0x26b: {  	_ =	swait.ge [sflag:s7], $0x8000  }
0x26c: {  	[sflag:s7] =	ssyncset.done $0x0  }
0x26d: {  	s21 =	rddreg [dreg:$0x14];
	[sflag:s7] =	ssyncadd.s32 $0xFFFF8000  }
0x26e: {  	[hbm4b:s21+s2] =	stream.linear.scatter [tilespmem:s4], [sflag:$0x3], $0x8000, $0x38;
	[tilespmem:$0x13400] =	vst v63  }
0x26f: {  	_ =	swait.ge [sflag:s3], $0x8000  }
0x270: {  	[sflag:s3] =	ssyncset.done $0x0  }
0x271: {  	[sflag:s3] =	ssyncadd.s32 $0xFFFF8000  }
0x272: {  	[tilespmem:s4], [sflag:$0x2] =	stream.indirect.gather [hbm4b:s5+s8], $0x40, s16, s8, $0xb8;
	[tilespmem:$0x13400] =	vst v63  }
0x273: {  	_ =	swait.ge [sflag:s9], $0x8000  }
0x274: {  	[sflag:s9] =	ssyncset.done $0x0  }
0x275: {  	s22 =	rddreg [dreg:$0x15];
	[sflag:s9] =	ssyncadd.s32 $0xFFFF8000  }
0x276: {  	[hbm4b:s22+s2] =	stream.linear.scatter [tilespmem:s6], [sflag:$0x3], $0x8000, $0x38;
	[tilespmem:$0x13400] =	vst v63  }
0x277: {  	_ =	swait.ge [sflag:s3], $0x8000  }
0x278: {  	[sflag:s3] =	ssyncset.done $0x0  }
0x279: {  	[sflag:s3] =	ssyncadd.s32 $0xFFFF8000  }
0x27a: {  	[tilespmem:s6], [sflag:$0x1] =	stream.indirect.gather [hbm4b:s5+s8], $0x40, s15, s8, $0xb8;
	[tilespmem:$0x13400] =	vst v63  }
0x27b: {  	_ =	swait.ge [sflag:s7], $0x8000  }
0x27c: {  	[sflag:s7] =	ssyncset.done $0x0  }
0x27d: {  	s23 =	rddreg [dreg:$0x16];
	[sflag:s7] =	ssyncadd.s32 $0xFFFF8000  }
0x27e: {  	[hbm4b:s23+s2] =	stream.linear.scatter [tilespmem:s4], [sflag:$0x3], $0x8000, $0x38;
	[tilespmem:$0x13400] =	vst v63  }
0x27f: {  	_ =	swait.ge [sflag:s3], $0x8000  }
0x280: {  	[sflag:s3] =	ssyncset.done $0x0  }
0x281: {  	[sflag:s3] =	ssyncadd.s32 $0xFFFF8000  }
0x282: {  	[tilespmem:s4], [sflag:$0x2] =	stream.indirect.gather [hbm4b:s5+s8], $0x40, s14, s8, $0xb8;
	[tilespmem:$0x13400] =	vst v63  }
0x283: {  	_ =	swait.ge [sflag:s9], $0x8000  }
0x284: {  	[sflag:s9] =	ssyncset.done $0x0  }
0x285: {  	s24 =	rddreg [dreg:$0x17];
	[sflag:s9] =	ssyncadd.s32 $0xFFFF8000  }
0x286: {  	[hbm4b:s24+s2] =	stream.linear.scatter [tilespmem:s6], [sflag:$0x3], $0x8000, $0x38;
	[tilespmem:$0x13400] =	vst v63  }
0x287: {  	_ =	swait.ge [sflag:s3], $0x8000  }
0x288: {  	[sflag:s3] =	ssyncset.done $0x0  }
0x289: {  	[sflag:s3] =	ssyncadd.s32 $0xFFFF8000  }
0x28a: {  	[tilespmem:s6], [sflag:$0x1] =	stream.indirect.gather [hbm4b:s5+s8], $0x40, s13, s8, $0xb8;
	[tilespmem:$0x13400] =	vst v63  }
0x28b: {  	_ =	swait.ge [sflag:s7], $0x8000  }
0x28c: {  	[sflag:s7] =	ssyncset.done $0x0  }
0x28d: {  	s25 =	rddreg [dreg:$0x18];
	[sflag:s7] =	ssyncadd.s32 $0xFFFF8000  }
0x28e: {  	[hbm4b:s25+s2] =	stream.linear.scatter [tilespmem:s4], [sflag:$0x3], $0x8000, $0x38;
	[tilespmem:$0x13400] =	vst v63  }
0x28f: {  	_ =	swait.ge [sflag:s3], $0x8000  }
0x290: {  	[sflag:s3] =	ssyncset.done $0x0  }
0x291: {  	[sflag:s3] =	ssyncadd.s32 $0xFFFF8000  }
0x292: {  	[tilespmem:s4], [sflag:$0x2] =	stream.indirect.gather [hbm4b:s5+s8], $0x40, s12, s8, $0xb8;
	[tilespmem:$0x13400] =	vst v63  }
0x293: {  	_ =	swait.ge [sflag:s9], $0x8000  }
0x294: {  	[sflag:s9] =	ssyncset.done $0x0  }
0x295: {  	s26 =	rddreg [dreg:$0x19];
	[sflag:s9] =	ssyncadd.s32 $0xFFFF8000  }
0x296: {  	[hbm4b:s26+s2] =	stream.linear.scatter [tilespmem:s6], [sflag:$0x3], $0x8000, $0x38;
	[tilespmem:$0x13400] =	vst v63  }
0x297: {  	_ =	swait.ge [sflag:s3], $0x8000  }
0x298: {  	[sflag:s3] =	ssyncset.done $0x0  }
0x299: {  	[sflag:s3] =	ssyncadd.s32 $0xFFFF8000  }
0x29a: {  	[tilespmem:s6], [sflag:$0x1] =	stream.indirect.gather [hbm4b:s5+s8], $0x40, s11, s8, $0xb8;
	[tilespmem:$0x13400] =	vst v63  }
0x29b: {  	_ =	swait.ge [sflag:s7], $0x8000  }
0x29c: {  	[sflag:s7] =	ssyncset.done $0x0  }
0x29d: {  	s28 =	rddreg [dreg:$0x1a];
	[sflag:s7] =	ssyncadd.s32 $0xFFFF8000  }
0x29e: {  	[hbm4b:s28+s2] =	stream.linear.scatter [tilespmem:s4], [sflag:$0x3], $0x8000, $0x38;
	[tilespmem:$0x13400] =	vst v63  }
0x29f: {  	_ =	swait.ge [sflag:s3], $0x8000  }
0x2a0: {  	[sflag:s3] =	ssyncset.done $0x0  }
0x2a1: {  	[sflag:s3] =	ssyncadd.s32 $0xFFFF8000  }
0x2a2: {  	[tilespmem:s4], [sflag:$0x2] =	stream.indirect.gather [hbm4b:s5+s8], $0x40, s10, s8, $0xb8;
	[tilespmem:$0x13400] =	vst v63  }
0x2a3: {  	_ =	swait.ge [sflag:s9], $0x8000  }
0x2a4: {  	[sflag:s9] =	ssyncset.done $0x0  }
0x2a5: {  	s29 =	rddreg [dreg:$0x1b];
	[sflag:s9] =	ssyncadd.s32 $0xFFFF8000  }
0x2a6: {  	[hbm4b:s29+s2] =	stream.linear.scatter [tilespmem:s6], [sflag:$0x3], $0x8000, $0x38;
	[tilespmem:$0x13400] =	vst v63  }
0x2a7: {  	_ =	swait.ge [sflag:s3], $0x8000  }
0x2a8: {  	[sflag:s3] =	ssyncset.done $0x0  }
0x2a9: {  	[sflag:s3] =	ssyncadd.s32 $0xFFFF8000  }
0x2aa: {  	_ =	swait.ge [sflag:s7], $0x8000  }
0x2ab: {  	[sflag:s7] =	ssyncset.done $0x0  }
0x2ac: {  	s30 =	rddreg [dreg:$0x1c];
	[sflag:s7] =	ssyncadd.s32 $0xFFFF8000  }
0x2ad: {  	[hbm4b:s30+s2] =	stream.linear.scatter [tilespmem:s4], [sflag:$0x3], $0x8000, $0x38;
	[tilespmem:$0x13400] =	vst v63  }
0x2ae: {  	_ =	swait.ge [sflag:s3], $0x8000  }
0x2af: {  	[sflag:s3] =	ssyncset.done $0x0  }
0x2b0: {  	[sflag:s3] =	ssyncadd.s32 $0xFFFF8000  }
0x2b1: {  	_ =	sfence.sel $0x180000  }
0x2b2: {  	[bflag:$0x0] =	sbarrier.arrive $0xFFFF  }
0x2b3: {  	_ =	strace $0x90000047  }
0x2b4: {  	s31 =	stileid.u32;
	[bflag:$0x2] =	sbarrier.arrive $0xFFFF  }
0x2b5: {  	p0 =	sne.s32 s31, $0x0;
	s0 =	rddreg [dreg:$0x2]  }
0x2b6: {  	s0 =	sadd.s32 @!p0 $0x100000, s0  }
0x2b7: {  	[sflag:s0] =	ssyncadd.tile.s32 @!p0 $0x1;
	_ =	shalt  }
.Lfunc_end2:
_tile_overlayer_lowered:
.L_overlay_start_2:
0x2b8: {  	(tag) =	ssettag $0x2  }
0x2b9: {  	s0 =	rddreg [dreg:$0x0];
	s2 =	stileid.u32  }
0x2ba: {  	s1 =	rddreg [dreg:$0x1];
	p0 =	sne.s32 s2, $0x0  }
0x2bb: {  	s3 =	rddreg [dreg:$0x2];
	[bflag:$0x3] =	sbarrier.arrive $0xFFFF;
	s2 =	simm.s32 @!p0 $0x1C03  }
0x2bc: {  	[timem:s3], [sflag:s2] =	dma.local @!p0 [hbm:s0], s1  }
0x2bd: {  	s0 =	simm.s32 @!p0 $0x3  }
0x2be: {  	_ =	swait.ge @!p0 [sflag:s0], s1  }
0x2bf: {  	s1 =	ssub.s32 @!p0 $0x0, s1;
	[sflag:s0] =	ssyncset.done @!p0 $0x0  }
0x2c0: {  	[sflag:s0] =	ssyncadd.s32 @!p0 s1  }
0x2c1: {  	[bflag:$0x3] =	sbarrier.arrive $0xFFFF  }
0x2c2: {  	_ =	shalt  }

// kernel: sparse-core-data-format-call.cloned.1.call-start
scs
called_computation_lowered:
.L_overlay_start_0:
0x0: {  	s2 =	sld [smem:$0x3FD9]  }
0x1: {  	s3 =	sld [smem:$0x3FFE];
	_ =	sdelay $0x1  }
0x2: {  	s1 =	srdreg.scid  }
0x3: {  	s0 =	sand.u32 $0x1, s1  }
0x4: {  	s18 =	sshll.u32 s0, $0xA;
	s2 =	sadd.s32 s3, s2  }
0x5: {  	s2 =	sadd.s32 s2, s18  }
0x6: {  	[smem:$0x3FC6] =	sst s2  }
0x7: {  	_ = 	snop  }
0x8: {  	s2 =	sld [smem:$0x3FD0];
	(tm) =	ssettm $0x1  }
0x9: {  	s19 =	sld [smem:$0x3FFB];
	_ =	sdelay $0x3  }
0xa: {  	_ =	strace s19  }
0xb: {  	s3 =	sld [smem:$0x3FFC];
	_ =	sdelay $0x3  }
0xc: {  	_ =	strace s3  }
0xd: {  	s3 =	sld [smem:$0x3FFD];
	_ =	sdelay $0x3  }
0xe: {  	_ =	strace s3  }
0xf: {  	_ =	strace $0x8FFFFFFF  }
0x10: {  	s20 =	sld [smem:$0x3FDB];
	_ =	sdelay $0x1  }
0x11: {  	s4 =	simm.s32 $_scs_section_size  }
0x12: {  	s5 =	simm.s32 $_size__tile_overlayer_lowered;
	s6 =	simm.s32 $_tile_overlayer_lowered  }
0x13: {  	s23 =	simm.s32 $0x1BFF;
	s22 =	sshll.u32 s6, $0x1;
	s3 =	sadd.s32 s4, s20  }
0x14: {  	s7 =	simm.s32 $0x0;
	s21 =	sshll.u32 s5, $0x1;
	s5 =	sadd.s32 s22, s3  }
0x15: {  	[timem:s7], [sflag:s23] =	dma.local [hbm:s5], s21  }
0x16: {  	_ =	swait.ge [sflag:s23], s21  }
0x17: {  	s4 =	ssub.s32 $0x0, s21;
	[sflag:s23] =	ssyncset.done $0x0  }
0x18: {  	[sflag:s23] =	ssyncadd.s32 s4;
	_ =	sdelay $0x1  }
0x19: {  	s24 =	simm.s32 $0x1B8B  }
0x1a: {  	_ =	swait.ge [sflag:s24], $0x1  }
0x1b: {  	[sflag:s24] =	ssyncset.done $0x0  }
0x1c: {  	s26 =	simm.s32 $0x1B8E;
	s25 =	sld [smem:$0x3FFE];
	[sflag:s24] =	ssyncadd.s32 $0xFFFFFFFF  }
0x1d: {  	s27 =	simm.s32 $execute0_lowered;
	[smem:$0x3FD2] =	sst s26  }
0x1e: {  	s5 =	sshll.u32 s27, $0x1;
	_ =	strace $0x80000049;
	[dreg:$0x1] =	wrdreg $0xFFFFFFFF  }
0x1f: {  	s28 =	simm.s32 $_size_execute0_lowered;
	s3 =	sadd.s32 s3, s5;
	[dreg:$0x0] =	wrdreg $0x0  }
0x20: {  	s5 =	sshll.u32 s28, $0x1;
	[dreg:$0x2] =	wrdreg s3  }
0x21: {  	[dreg:$0x3] =	wrdreg s5  }
0x22: {  	[dreg:$0x4] =	wrdreg $0xC0  }
0x23: {  	_ =	task [dreg:s7], $0x5FFFF  }
0x24: {  	[dreg:$0x1] =	wrdreg $0xFFFFFFFF  }
0x25: {  	[dreg:$0x0] =	wrdreg $0x60  }
0x26: {  	[dreg:$0x2] =	wrdreg s25  }
0x27: {  	[dreg:$0x3] =	wrdreg s2  }
0x28: {  	[dreg:$0x4] =	wrdreg $0x9  }
0x29: {  	_ =	task.clear_ibuf [dreg:s7], $0x5FFFF;
	_ =	strace $0x90000049  }
0x2a: {  	s29 =	simm.s32 $0x9;
	_ =	strace $0x8000004B  }
0x2b: {  	_ =	swait.ge [sflag:s29], $0x1  }
0x2c: {  	[sflag:s29] =	ssyncadd.s32 $0xFFFFFFFF  }
0x2d: {  	_ =	strace $0x9000004B  }
0x2e: {  	_ =	sfence  }
0x2f: {  	s30 =	sld [smem:$0x0];
	_ =	sdelay $0x2  }
0x30: {  	s31 =	sshll.u32 s1, $0xD;
	s1 =	sshrl.u32 s1, $0x2  }
0x31: {  	s3 =	sand.u32 $0x4000, s31;
	s1 =	sadd.s32 s1, s30  }
0x32: {  	s0 =	sor.u32 s3, s0;
	s1 =	sshll.u32 s1, $0x11  }
0x33: {  	s0 =	sor.u32 s1, s0  }
0x34: {  	s0 =	sadd.s32 $0x8F2B, s0  }
0x35: {  	[sflag:s0] =	ssyncadd.remote.s32 $0x1  }
0x36: {  	_ =	sfence.sel $0xFFFF  }
0x37: {  	[dreg:$0x0] =	wrdreg $0xFFFFFFFF;
	(pc) =	sbr.abs _section_cstart, $3  }
0x38: {  	[dreg:$0x1] =	wrdreg $0xFFFFFFFF  }
0x39: {  	_ =	task.clear_ibuf [dreg:s7], $0x2FFFF;
	_ =	strace $0x9FFFFFFF  }
0x3a: {  	(tm) =	ssettm $0x7FFFFFFF  }
0x3b: {  	_ =	shalt  }
tec
execute0_lowered:
.L_overlay_start_1:
0x0: {  	(tag) =	ssettag $0x1  }
0x1: {  	s0 =	srdreg.scid  }
0x2: {  	s1 =	sshll.u32 s0, $0x4  }
0x3: {  	s0 =	stileid.u32;
	s1 =	sand.u32 $0x10, s1  }
0x4: {  	s1 =	sor.u32 s0, s1  }
0x5: {  	s6 =	rddreg [dreg:$0x0];
	s4 =	simm.s32 $0x1;
	s2 =	sshll.u32 s1, $0x7  }
0x6: {  	s7 =	simm.s32 $0x2;
	s12 =	simm.s32 $0x0;
	s1 =	ssub.s32 $0x4000, s2  }
0x7: {  	s8 =	simm.s32 $0x20000;
	s13 =	simm.s32 $0x0;
	s3 =	sand.u32 $0xF80, s1  }
0x8: {  	s9 =	simm.s32 $0x0;
	s5 =	sshrl.u32 s1, $0xC;
	p0 =	sne.s32 s3, $0x0  }
.Ltmp0:
0x9: {  	s1 =	rddreg [dreg:$0x2];
	s4 =	simm.s32 @!p0 $0x0;
	(pc) =	sbr.rel .LBB1_1-.Ltmp0, $4  }
0xa: {  	s11 =	simm.s32 $0x0;
	s3 =	rddreg [dreg:$0x1];
	s5 =	sadd.s32 s4, s5  }
0xb: {  	_ =	strace $0x8000004A;
	s4 =	simm.s32 $0x1;
	s5 =	smul.u32 $0x1A, s5  }
0xc: {  	s6 =	sadd.s32 $0x800, s6;
	s10 =	smov.u32 s2;
	[sflag:s4] =	ssyncpa.u1 $0x0  }
0xd: {  	p0 =	por $0x0, $0x0;
	[sflag:s7] =	ssyncpa.u1 $0x0;
	s7 =	sor.u32 $0x1, s5  }
.LBB1_4:
0xe: {  	s16 =	sshll.u32 s13, $0x3;
	s17 =	sand.u32 $0x78, s13  }
0xf: {  	s30 =	sand.u32 $0x1F800, s13;
	s12 =	sshll.u32 s12, $0x11;
	s16 =	sand.u32 $0x3C00, s16  }
0x10: {  	[tilespmem:s15+$0x810 ss:$0x81] =	vst.msk $0xffff, v2;
	s31 =	sand.u32 $0x7, s13;
	s16 =	sor.u32 s17, s16;
	s17 =	sadd.s32 s3, s30  }
0x11: {  	[tilespmem:s15+$0x1020 ss:$0x81] =	vst.msk $0xffff, v0;
	s13 =	sshll.u32 s31, $0x12;
	s12 =	sadd.s32 s12, s17;
	s16 =	sshrl.u32 s16, $0x3  }
0x12: {  	[tilespmem:s15+$0x0 ss:$0x81] =	vst.msk $0xffff, v1;
	s13 =	sor.u32 $0x400, s13;
	s12 =	sadd.s32 s16, s12  }
0x13: {  	[hbm4b:s12+s13] =	stream.strided.scatter [tilespmem:s14], [sflag:$0x2], $0x2000, s8, s13, $0x20;
	[tilespmem:$0x8080] =	vst v63  }
.LBB1_5:
0x14: {  	s14 =	sadd.s32 $0x1, s9  }
0x15: {  	s12 =	sadd.s32 $0x1000, s10;
	s16 =	smov.u32 s10;
	p2 =	sgt.s32 s14, $0x19  }
0x16: {  	s16 =	smov.u32 @p2 s12  }
0x17: {  	s14 =	simm.s32 @p2 $0x0;
	p2 =	sgt.s32 s16, $0x3FFF  }
0x18: {  	s16 =	smov.u32 @p2 s2;
	p2 =	sne.s32 s11, s7  }
.Ltmp1:
0x19: {  	p1 =	slt.u32 s11, $0x2;
	(pc) =	sbr.rel @!p2 .LBB1_6-.Ltmp1, $4  }
0x1a: {  	s15 =	simm.s32 @!p1 $0x2  }
0x1b: {  	s13 =	smov.u32 s10;
	p0 =	por !p0, !p0;
	_ =	swait.ge @!p1 [sflag:s15], $0x2000  }
0x1c: {  	s12 =	smov.u32 s9;
	[sflag:s15] =	ssyncset.done @!p1 $0x0;
	s9 =	smov.u32 s14  }
0x1d: {  	s11 =	sadd.s32 $0x1, s11;
	[sflag:s15] =	ssyncadd.s32 @!p1 $0xFFFFE000;
	s10 =	smov.u32 s16  }
.LBB1_1:
0x1e: {  	p1 =	sge.u32 s11, s5  }
0x1f: {  	s31 =	sadd.s32 $0xFFFFFFFF, s11;
	s14 =	sxor.u32 @!p1 $0xFFFFFFFF, s11  }
0x20: {  	s15 =	sshll.u32 @!p1 s10, $0x9;
	s16 =	sshll.u32 @!p1 s9, $0x4;
	s17 =	simm.s32 @!p1 $0x1000  }
0x21: {  	s14 =	sshll.u32 @!p1 s14, $0xD;
	s16 =	sand.u32 @!p1 $0x1F0, s16;
	s15 =	sadd.s32 @!p1 s6, s15  }
0x22: {  	s14 =	sand.u32 @!p1 $0x2000, s14;
	s15 =	sadd.s32 @!p1 s16, s15;
	s16 =	simm.s32 @!p1 $0x40  }
0x23: {  	[tilespmem:s14], [sflag:$0x1] =	stream.strided.gather @!p1 [hbm4b:s15+s16], $0x2000, s17, s16, $0x38;
	[tilespmem:$0x8080] =	vst v63  }
0x24: {  	p1 =	sge.u32 s31, s5  }
.Ltmp2:
0x25: {  	_ = 	snop;
	(pc) =	sbr.rel @p1 .LBB1_5-.Ltmp2, $1  }
0x26: {  	_ =	sdelay $0x3  }
0x27: {  	s14 =	simm.s32 $0x1  }
0x28: {  	_ =	swait.ge [sflag:s4], $0x2000;
	s14 =	simm.s32 @!p0 $0x0  }
0x29: {  	[sflag:s4] =	ssyncset.done $0x0;
	s15 =	sshll.u32 s14, $0xD  }
0x2a: {  	[sflag:s4] =	ssyncadd.s32 $0xFFFFE000;
	s18 =	sor.u32 $0x20, s15  }
0x2b: {  	s14 =	smul.u32 $0x8100, s14;
	v3 =	vld [tilespmem:s18+$0x10]  }
0x2c: {  	s30 =	sand.u32 $0x1, s11;
	v2 =	vld [tilespmem:s18+$0xFFFFFFF0]  }
0x2d: {  	s15 =	smul.u32 $0x8100, s30;
	s14 =	sshrl.u32 s14, $0x2;
	v0 =	vld [tilespmem:s18+$0x0]  }
0x2e: {  	v1 =	vld [tilespmem:s18+$0xFFFFFFE0];
	s16 =	sor.u32 $0x4000, s14  }
0x2f: {  	s31 =	sshrl.u32 s15, $0x2;
	s15 =	sadd.s32 $0x0, s16  }
0x30: {  	s17 =	simm.s32 $0x4;
	s18 =	sadd.s32 $0x40, s18;
	s14 =	sor.u32 $0x4000, s31;
	[tilespmem:s15+$0x1830 ss:$0x81] =	vst.msk $0xffff, v3  }
.LBB1_3:
0x31: {  	v3 =	vld [tilespmem:s18+$0x10];
	p1 =	sne.s32 s17, $0x1FC;
	[tilespmem:s15+$0x810 ss:$0x81] =	vst.msk $0xffff, v2;
	s19 =	smov.u32 s17;
	s17 =	sadd.s32 $0x4, s17  }
.Ltmp3:
0x32: {  	v2 =	vld [tilespmem:s18+$0xFFFFFFF0];
	[tilespmem:s15+$0x1020 ss:$0x81] =	vst.msk $0xffff, v0;
	(pc) =	sbr.rel @p1 .LBB1_3-.Ltmp3, $4  }
0x33: {  	v0 =	vld [tilespmem:s18+$0x0];
	[tilespmem:s15+$0x0 ss:$0x81] =	vst.msk $0xffff, v1  }
0x34: {  	s15 =	sshra.s32 s19, $0x2;
	v1 =	vld [tilespmem:s18+$0xFFFFFFE0]  }
0x35: {  	s15 =	sadd.s32 s15, s16  }
0x36: {  	s18 =	sadd.s32 $0x40, s18;
	[tilespmem:s15+$0x1830 ss:$0x81] =	vst.msk $0xffff, v3  }
.Ltmp4:
0x37: {  	_ = 	snop;
	(pc) =	sbr.rel .LBB1_4-.Ltmp4, $1  }
0x38: {  	_ =	sdelay $0x3  }
.LBB1_6:
0x39: {  	_ =	sfence.sel $0x180000  }
0x3a: {  	s2 =	simm.s32 $0x1;
	[bflag:$0x0] =	sbarrier.arrive $0xFFFF  }
0x3b: {  	s31 =	simm.s32 $0x2;
	[sflag:s2] =	ssyncpa.u1 $0x1  }
0x3c: {  	[sflag:s31] =	ssyncpa.u1 $0x1  }
0x3d: {  	p0 =	sne.s32 s0, $0x0;
	_ =	strace $0x9000004A  }
0x3e: {  	s0 =	sadd.s32 @!p0 $0x100000, s1;
	[bflag:$0x2] =	sbarrier.arrive $0xFFFF  }
0x3f: {  	[sflag:s0] =	ssyncadd.tile.s32 @!p0 $0x1;
	_ =	shalt  }
.Lfunc_end1:
_tile_overlayer_lowered:
.L_overlay_start_2:
0x40: {  	(tag) =	ssettag $0x2  }
0x41: {  	s0 =	rddreg [dreg:$0x0];
	s2 =	stileid.u32  }
0x42: {  	s1 =	rddreg [dreg:$0x1];
	p0 =	sne.s32 s2, $0x0  }
0x43: {  	s3 =	rddreg [dreg:$0x2];
	[bflag:$0x3] =	sbarrier.arrive $0xFFFF;
	s2 =	simm.s32 @!p0 $0x1C01  }
0x44: {  	[timem:s3], [sflag:s2] =	dma.local @!p0 [hbm:s0], s1  }
0x45: {  	s0 =	simm.s32 @!p0 $0x1  }
0x46: {  	_ =	swait.ge @!p0 [sflag:s0], s1  }
0x47: {  	s1 =	ssub.s32 @!p0 $0x0, s1;
	[sflag:s0] =	ssyncset.done @!p0 $0x0  }
0x48: {  	[sflag:s0] =	ssyncadd.s32 @!p0 s1  }
0x49: {  	[bflag:$0x3] =	sbarrier.arrive $0xFFFF  }
0x4a: {  	_ =	shalt  }

</sc_bundles>
